<compile_context>
chip_gen: v7x
topology: tpu7x:2x2x1
jax: 0.10.2.dev20260603
libtpu: 0.0.44.dev20260713+nightly
codegen_flags: <defaults>
</compile_context>

<pallas_src>
import jax
import jax.numpy as jnp
from jax import lax
from jax.experimental import pallas as pl
from jax.experimental.pallas import tpu as pltpu
from jax.experimental.pallas import tpu_sc as plsc

ALPHA = 1.702
LIMIT = 7.0
TOP_K = 2
BT = 128
NC, NS = 2, 16
NW = NC * NS
CH = 64


def _sc_gather(src, idx, H, ch=CH):
    R = idx.shape[0]
    rows_per_w = R // NW
    n_chunks = rows_per_w // ch
    mesh = plsc.VectorSubcoreMesh(core_axis_name="c", subcore_axis_name="s",
                                  num_cores=NC, num_subcores=NS)

    def body(src_hbm, idx_hbm, out_hbm, idx_v, rows0, rows1, sem0, sem1):
        wid = lax.axis_index("s") * NC + lax.axis_index("c")
        base = wid * rows_per_w
        pltpu.sync_copy(idx_hbm.at[pl.ds(base, rows_per_w)], idx_v)
        bufs = (rows0, rows1)
        sems = (sem0, sem1)
        copies = [None] * n_chunks
        copies[0] = pltpu.async_copy(
            src_hbm.at[idx_v.at[pl.ds(0, ch)]], bufs[0], sems[0])
        for c in range(n_chunks):
            if c + 1 < n_chunks:
                copies[c + 1] = pltpu.async_copy(
                    src_hbm.at[idx_v.at[pl.ds((c + 1) * ch, ch)]],
                    bufs[(c + 1) % 2], sems[(c + 1) % 2])
            copies[c].wait()
            pltpu.sync_copy(bufs[c % 2],
                            out_hbm.at[pl.ds(base + c * ch, ch)])

    k = pl.kernel(
        body,
        out_type=jax.ShapeDtypeStruct((R, H), src.dtype),
        mesh=mesh,
        scratch_types=[
            pltpu.VMEM((rows_per_w,), jnp.int32),
            pltpu.VMEM((ch, H), src.dtype),
            pltpu.VMEM((ch, H), src.dtype),
            pltpu.SemaphoreType.DMA,
            pltpu.SemaphoreType.DMA,
        ],
    )
    return k(src, idx)



def _gemm_body(be_ref, xs_ref, gw_ref, uw_ref, gb_ref, ub_ref, dw_ref,
               db_ref, ws_ref, out_ref):
    x = xs_ref[...].astype(jnp.bfloat16)
    g = jnp.dot(x, gw_ref[0], preferred_element_type=jnp.float32) + gb_ref[0]
    u = jnp.dot(x, uw_ref[0], preferred_element_type=jnp.float32) + ub_ref[0]
    g = jnp.minimum(g, LIMIT)
    u = jnp.clip(u, -LIMIT, LIMIT)
    act = (u + 1.0) * (g * jax.nn.sigmoid(g * ALPHA))
    y = jnp.dot(act.astype(jnp.bfloat16), dw_ref[0],
                preferred_element_type=jnp.float32) + db_ref[0]
    out_ref[...] = y * ws_ref[:, 0:1]


def _run_gemm(block_expert, xs, gw, uw, gb, ub, dw, db, ws_pad):
    NPAD, H = xs.shape
    I = gw.shape[2]
    NB = NPAD // BT
    grid_spec = pltpu.PrefetchScalarGridSpec(
        num_scalar_prefetch=1,
        grid=(NB,),
        in_specs=[
            pl.BlockSpec((BT, H), lambda b, be: (b, 0)),
            pl.BlockSpec((1, H, I), lambda b, be: (be[b], 0, 0)),
            pl.BlockSpec((1, H, I), lambda b, be: (be[b], 0, 0)),
            pl.BlockSpec((1, 1, I), lambda b, be: (be[b], 0, 0)),
            pl.BlockSpec((1, 1, I), lambda b, be: (be[b], 0, 0)),
            pl.BlockSpec((1, I, H), lambda b, be: (be[b], 0, 0)),
            pl.BlockSpec((1, 1, H), lambda b, be: (be[b], 0, 0)),
            pl.BlockSpec((BT, 128), lambda b, be: (b, 0)),
        ],
        out_specs=pl.BlockSpec((BT, H), lambda b, be: (b, 0)),
    )
    return pl.pallas_call(
        _gemm_body,
        grid_spec=grid_spec,
        out_shape=jax.ShapeDtypeStruct((NPAD, H), jnp.float32),
        compiler_params=pltpu.CompilerParams(
            vmem_limit_bytes=100 * 1024 * 1024),
    )(block_expert, xs, gw, uw, gb, ub, dw, db, ws_pad)



def _add_body(a_ref, b_ref, o_ref):
    o_ref[...] = a_ref[...] + b_ref[...]


def _run_add(yg, T, H):
    TB = 512
    noff = T // TB
    return pl.pallas_call(
        _add_body,
        grid=(noff,),
        in_specs=[
            pl.BlockSpec((TB, H), lambda b: (b, 0)),
            pl.BlockSpec((TB, H), lambda b: (b + noff, 0)),
        ],
        out_specs=pl.BlockSpec((TB, H), lambda b: (b, 0)),
        out_shape=jax.ShapeDtypeStruct((T, H), jnp.float32),
    )(yg, yg)



def _dispatch(i0, i1, w0, w1, E, T):
    N = TOP_K * T
    NB = N // BT + E
    NPAD = NB * BT
    ef = jnp.stack([i0, i1], axis=1).reshape(-1)
    wf = jnp.stack([w0, w1], axis=1).reshape(-1)
    onehot = (ef[:, None] == jnp.arange(E, dtype=jnp.int32)[None, :])
    ranks = jnp.cumsum(onehot.astype(jnp.int32), axis=0)
    counts = ranks[-1]
    pc = ((counts + BT - 1) // BT) * BT
    bstart = jnp.concatenate(
        [jnp.zeros((1,), jnp.int32), jnp.cumsum(pc)])[:E] // BT
    r = jnp.take_along_axis(ranks, ef[:, None], axis=1)[:, 0] - 1
    posn = bstart[ef] * BT + r
    tokn = jnp.arange(N, dtype=jnp.int32) // TOP_K
    tok_sorted = jnp.zeros((NPAD,), jnp.int32).at[posn].set(tokn)
    w_sorted = jnp.zeros((NPAD,), jnp.float32).at[posn].set(wf)
    block_expert = (jnp.sum(
        (jnp.arange(NB, dtype=jnp.int32)[:, None] >= bstart[None, :]),
        axis=1) - 1).astype(jnp.int32)
    pos2 = posn.reshape(T, TOP_K)
    pos_flat = jnp.concatenate([pos2[:, 0], pos2[:, 1]])
    return tok_sorted, w_sorted, block_expert, pos_flat, NPAD



def kernel(hidden_states, router_weight, router_bias, gate_up_proj,
           gate_up_proj_bias, down_proj, down_proj_bias):
    bsz, seq_len, H = hidden_states.shape
    T = bsz * seq_len
    E = router_weight.shape[0]
    x = hidden_states.reshape(T, H)

    logits = x @ router_weight.T + router_bias
    top_vals, top_idx = jax.lax.top_k(logits, TOP_K)
    top_vals = jax.nn.softmax(top_vals, axis=-1)
    tok_sorted, w_sorted, block_expert, pos_flat, NPAD = _dispatch(
        top_idx[:, 0], top_idx[:, 1], top_vals[:, 0], top_vals[:, 1], E, T)

    I2 = gate_up_proj.shape[2] // 2
    guw = jnp.transpose(gate_up_proj.reshape(E, H, I2, 2),
                        (3, 0, 1, 2)).astype(jnp.bfloat16)
    gw = guw[0]
    uw = guw[1]
    dw = down_proj.astype(jnp.bfloat16)
    gb = gate_up_proj_bias[:, 0::2][:, None, :]
    ub = gate_up_proj_bias[:, 1::2][:, None, :]
    db = down_proj_bias[:, None, :]

    xs = _sc_gather(x, tok_sorted, H, ch=40)
    ws_pad = jnp.broadcast_to(w_sorted[:, None], (NPAD, 128))
    ys = _run_gemm(block_expert, xs, gw, uw, gb, ub, dw,
                   db, ws_pad)
    yg = _sc_gather(ys, pos_flat, H, ch=32)
    out = _run_add(yg, T, H)
    return out.reshape(bsz, seq_len, H)

# --- scband reference (transcript-rebuilt; emitter-appended) ---
"""Pipeline reference for scband-gpt-oss-mlp-63307817943054 (READ-ONLY COPY).

The authoritative reference and input builder live on the scoring server;
editing this copy changes nothing except your own understanding.
"""

import jax, jax.numpy as jnp
import numpy as np

E = 8
TOP_K = 2
H = 1024
I = 2048
ALPHA = 1.702
LIMIT = 7.0
B, S = 1, 2048


def setup_inputs(seed: int = 0) -> dict:
    key = jax.random.key(seed)
    ks = jax.random.split(key, 7)
    hidden_states = jax.random.normal(ks[0], (B, S, H), dtype=jnp.float32)
    router_weight = jax.random.normal(ks[1], (E, H), dtype=jnp.float32) * 0.02
    router_bias = jax.random.normal(ks[2], (E,), dtype=jnp.float32) * 0.02
    gate_up_proj = jax.random.normal(ks[3], (E, H, 2 * I), dtype=jnp.float32) * 0.02
    gate_up_proj_bias = jax.random.normal(ks[4], (E, 2 * I), dtype=jnp.float32) * 0.02
    down_proj = jax.random.normal(ks[5], (E, I, H), dtype=jnp.float32) * 0.02
    down_proj_bias = jax.random.normal(ks[6], (E, H), dtype=jnp.float32) * 0.02
    return {
        'hidden_states': hidden_states,
        'router_weight': router_weight,
        'router_bias': router_bias,
        'gate_up_proj': gate_up_proj,
        'gate_up_proj_bias': gate_up_proj_bias,
        'down_proj': down_proj,
        'down_proj_bias': down_proj_bias,
    }


def reference(hidden_states, router_weight, router_bias, gate_up_proj,
              gate_up_proj_bias, down_proj, down_proj_bias):
    bsz, seq_len, hidden_dim = hidden_states.shape
    x = hidden_states.reshape(-1, hidden_dim)  # [T, H]
    T = x.shape[0]
    # ---- Router: linear + topk + softmax + scatter ----
    logits = x @ router_weight.T + router_bias  # [T, E]
    top_vals, top_idx = jax.lax.top_k(logits, TOP_K)  # [T, k]
    top_vals = jax.nn.softmax(top_vals, axis=-1)
    routing_weights = jnp.zeros_like(logits).at[
        jnp.arange(T)[:, None], top_idx].set(top_vals)  # [T, E]
    # ---- Dense experts with GPT-OSS GLU ----
    # gate_up interleaved on last dim: gate = [..., ::2], up = [..., 1::2]
    gu = jnp.einsum('th,ehd->etd', x, gate_up_proj) + gate_up_proj_bias[:, None, :]  # [E, T, 2I]
    gate = gu[..., ::2]
    up = gu[..., 1::2]
    gate = jnp.minimum(gate, LIMIT)
    up = jnp.clip(up, -LIMIT, LIMIT)
    glu = gate * jax.nn.sigmoid(gate * ALPHA)
    act = (up + 1.0) * glu  # [E, T, I]
    expert_out = jnp.einsum('eti,eih->eth', act, down_proj) + down_proj_bias[:, None, :]  # [E, T, H]
    out = jnp.einsum('te,eth->th', routing_weights, expert_out)  # [T, H]
    return out.reshape(bsz, seq_len, hidden_dim)

if __name__ == "__main__":
    import jax
    _d = setup_inputs()
    print(jax.jit(kernel)(*tuple(_d.values())))

</pallas_src>

<mosaic_0001>
#map = affine_map<(d0, d1) -> (0, 0)>
#map1 = affine_map<(d0, d1) -> (0)>
module attributes {stable_mosaic.version = 14 : i64} {
  func.func @body(%arg0: i32, %arg1: i32, %arg2: memref<2048x1024xf32, #tpu.memory_space<hbm>>, %arg3: memref<5120xi32, #tpu.memory_space<hbm>>, %arg4: memref<5120x1024xf32, #tpu.memory_space<hbm>>, %arg5: memref<160xi32, #tpu.memory_space<vmem>>, %arg6: memref<40x1024xf32, #tpu.memory_space<vmem>>, %arg7: memref<40x1024xf32, #tpu.memory_space<vmem>>, %arg8: memref<!tpu.dma_semaphore, #tpu.memory_space<semaphore_mem>>, %arg9: memref<!tpu.dma_semaphore, #tpu.memory_space<semaphore_mem>>) attributes {dimension_semantics = [#tpu.dimension_semantics<core_parallel>, #tpu.dimension_semantics<subcore_parallel>], iteration_bounds = array<i64: 2, 16>, scalar_prefetch = 0 : i64, scratch_operands = 5 : i64, tpu.core_type = #tpu.core_type<sc_vector_subcore>, window_params = [{transform_indices = #map}, {transform_indices = #map1}, {transform_indices = #map}]} {
    %mul3A = arith.constant 2 : i32
    %mul3A_0 = arith.muli %arg1, %mul3A : i32
    %add3A = arith.addi %mul3A_0, %arg0 : i32
    %mul3A_1 = arith.constant 160 : i32
    %mul3A_2 = arith.muli %add3A, %mul3A_1 : i32
    "tpu.region"() ({
      %run_scoped3A = tpu.sem_alloc : memref<!tpu.dma_semaphore, #tpu.memory_space<semaphore_mem>>
      %dma_start3A_49 = tpu.memref_slice %arg3[%mul3A_2] : memref<5120xi32, #tpu.memory_space<hbm>> -> memref<160xi32, #tpu.memory_space<hbm>>
      %dma_start3A_50 = tpu.memref_slice %arg3[%mul3A_2] : memref<5120xi32, #tpu.memory_space<hbm>> -> memref<160xi32, #tpu.memory_space<hbm>>
      tpu.enqueue_dma source(%dma_start3A_50 : memref<160xi32, #tpu.memory_space<hbm>>) target(%arg5 : memref<160xi32, #tpu.memory_space<vmem>>) target_semaphore(%run_scoped3A : memref<!tpu.dma_semaphore, #tpu.memory_space<semaphore_mem>>)
      %dma_wait3A_51 = tpu.memref_slice %arg3[%mul3A_2] : memref<5120xi32, #tpu.memory_space<hbm>> -> memref<160xi32, #tpu.memory_space<hbm>>
      %dma_wait3A_52 = tpu.memref_slice %arg3[%mul3A_2] : memref<5120xi32, #tpu.memory_space<hbm>> -> memref<160xi32, #tpu.memory_space<hbm>>
      tpu.wait_dma2 semaphore(%run_scoped3A : memref<!tpu.dma_semaphore, #tpu.memory_space<semaphore_mem>>) src(%dma_wait3A_52 : memref<160xi32, #tpu.memory_space<hbm>>) dst(%arg5 : memref<160xi32, #tpu.memory_space<vmem>>)
      tpu.yield
    }) : () -> ()
    %dma_start3A = arith.constant 0 : i32
    %dma_start3A_3 = tpu.memref_slice %arg5[%dma_start3A] : memref<160xi32, #tpu.memory_space<vmem>> -> memref<40xi32, #tpu.memory_space<vmem>>
    %dma_start3A_4 = arith.constant 0 : i32
    %dma_start3A_5 = arith.constant 0 : i32
    %dma_start3A_6 = tpu.memref_slice %arg2[%dma_start3A_4, %dma_start3A_5] : memref<2048x1024xf32, #tpu.memory_space<hbm>> -> memref<2048x1024xf32, #tpu.memory_space<hbm>>
    tpu.enqueue_indirect_dma source(%dma_start3A_6 : memref<2048x1024xf32, #tpu.memory_space<hbm>>) target(%arg6 : memref<40x1024xf32, #tpu.memory_space<vmem>>) offsets(%dma_start3A_3 : memref<40xi32, #tpu.memory_space<vmem>>) semaphore(%arg8 : memref<!tpu.dma_semaphore, #tpu.memory_space<semaphore_mem>>)
    %dma_start3A_7 = arith.constant 40 : i32
    %dma_start3A_8 = tpu.memref_slice %arg5[%dma_start3A_7] : memref<160xi32, #tpu.memory_space<vmem>> -> memref<40xi32, #tpu.memory_space<vmem>>
    %dma_start3A_9 = arith.constant 0 : i32
    %dma_start3A_10 = arith.constant 0 : i32
    %dma_start3A_11 = tpu.memref_slice %arg2[%dma_start3A_9, %dma_start3A_10] : memref<2048x1024xf32, #tpu.memory_space<hbm>> -> memref<2048x1024xf32, #tpu.memory_space<hbm>>
    tpu.enqueue_indirect_dma source(%dma_start3A_11 : memref<2048x1024xf32, #tpu.memory_space<hbm>>) target(%arg7 : memref<40x1024xf32, #tpu.memory_space<vmem>>) offsets(%dma_start3A_8 : memref<40xi32, #tpu.memory_space<vmem>>) semaphore(%arg9 : memref<!tpu.dma_semaphore, #tpu.memory_space<semaphore_mem>>)
    %dma_wait3A = arith.constant 0 : i32
    %dma_wait3A_12 = tpu.memref_slice %arg5[%dma_wait3A] : memref<160xi32, #tpu.memory_space<vmem>> -> memref<40xi32, #tpu.memory_space<vmem>>
    %dma_wait3A_13 = arith.constant 0 : i32
    %dma_wait3A_14 = arith.constant 0 : i32
    %dma_wait3A_15 = tpu.memref_slice %arg2[%dma_wait3A_13, %dma_wait3A_14] : memref<2048x1024xf32, #tpu.memory_space<hbm>> -> memref<2048x1024xf32, #tpu.memory_space<hbm>>
    tpu.wait_indirect_dma semaphore(%arg8 : memref<!tpu.dma_semaphore, #tpu.memory_space<semaphore_mem>>) src(%dma_wait3A_15 : memref<2048x1024xf32, #tpu.memory_space<hbm>>) dst(%arg6 : memref<40x1024xf32, #tpu.memory_space<vmem>>)
    %add3A_16 = arith.constant 0 : i32
    %add3A_17 = arith.addi %mul3A_2, %add3A_16 : i32
    "tpu.region"() ({
      %run_scoped3A = tpu.sem_alloc : memref<!tpu.dma_semaphore, #tpu.memory_space<semaphore_mem>>
      %dma_start3A_49 = arith.constant 0 : i32
      %dma_start3A_50 = tpu.memref_slice %arg4[%add3A_17, %dma_start3A_49] : memref<5120x1024xf32, #tpu.memory_space<hbm>> -> memref<40x1024xf32, #tpu.memory_space<hbm>>
      %dma_start3A_51 = arith.constant 0 : i32
      %dma_start3A_52 = tpu.memref_slice %arg4[%add3A_17, %dma_start3A_51] : memref<5120x1024xf32, #tpu.memory_space<hbm>> -> memref<40x1024xf32, #tpu.memory_space<hbm>>
      tpu.enqueue_dma source(%arg6 : memref<40x1024xf32, #tpu.memory_space<vmem>>) target(%dma_start3A_52 : memref<40x1024xf32, #tpu.memory_space<hbm>>) target_semaphore(%run_scoped3A : memref<!tpu.dma_semaphore, #tpu.memory_space<semaphore_mem>>)
      %dma_wait3A_53 = arith.constant 0 : i32
      %dma_wait3A_54 = tpu.memref_slice %arg4[%add3A_17, %dma_wait3A_53] : memref<5120x1024xf32, #tpu.memory_space<hbm>> -> memref<40x1024xf32, #tpu.memory_space<hbm>>
      %dma_wait3A_55 = arith.constant 0 : i32
      %dma_wait3A_56 = tpu.memref_slice %arg4[%add3A_17, %dma_wait3A_55] : memref<5120x1024xf32, #tpu.memory_space<hbm>> -> memref<40x1024xf32, #tpu.memory_space<hbm>>
      tpu.wait_dma2 semaphore(%run_scoped3A : memref<!tpu.dma_semaphore, #tpu.memory_space<semaphore_mem>>) src(%arg6 : memref<40x1024xf32, #tpu.memory_space<vmem>>) dst(%dma_wait3A_56 : memref<40x1024xf32, #tpu.memory_space<hbm>>)
      tpu.yield
    }) : () -> ()
    %dma_start3A_18 = arith.constant 80 : i32
    %dma_start3A_19 = tpu.memref_slice %arg5[%dma_start3A_18] : memref<160xi32, #tpu.memory_space<vmem>> -> memref<40xi32, #tpu.memory_space<vmem>>
    %dma_start3A_20 = arith.constant 0 : i32
    %dma_start3A_21 = arith.constant 0 : i32
    %dma_start3A_22 = tpu.memref_slice %arg2[%dma_start3A_20, %dma_start3A_21] : memref<2048x1024xf32, #tpu.memory_space<hbm>> -> memref<2048x1024xf32, #tpu.memory_space<hbm>>
    tpu.enqueue_indirect_dma source(%dma_start3A_22 : memref<2048x1024xf32, #tpu.memory_space<hbm>>) target(%arg6 : memref<40x1024xf32, #tpu.memory_space<vmem>>) offsets(%dma_start3A_19 : memref<40xi32, #tpu.memory_space<vmem>>) semaphore(%arg8 : memref<!tpu.dma_semaphore, #tpu.memory_space<semaphore_mem>>)
    %dma_wait3A_23 = arith.constant 40 : i32
    %dma_wait3A_24 = tpu.memref_slice %arg5[%dma_wait3A_23] : memref<160xi32, #tpu.memory_space<vmem>> -> memref<40xi32, #tpu.memory_space<vmem>>
    %dma_wait3A_25 = arith.constant 0 : i32
    %dma_wait3A_26 = arith.constant 0 : i32
    %dma_wait3A_27 = tpu.memref_slice %arg2[%dma_wait3A_25, %dma_wait3A_26] : memref<2048x1024xf32, #tpu.memory_space<hbm>> -> memref<2048x1024xf32, #tpu.memory_space<hbm>>
    tpu.wait_indirect_dma semaphore(%arg9 : memref<!tpu.dma_semaphore, #tpu.memory_space<semaphore_mem>>) src(%dma_wait3A_27 : memref<2048x1024xf32, #tpu.memory_space<hbm>>) dst(%arg7 : memref<40x1024xf32, #tpu.memory_space<vmem>>)
    %add3A_28 = arith.constant 40 : i32
    %add3A_29 = arith.addi %mul3A_2, %add3A_28 : i32
    "tpu.region"() ({
      %run_scoped3A = tpu.sem_alloc : memref<!tpu.dma_semaphore, #tpu.memory_space<semaphore_mem>>
      %dma_start3A_49 = arith.constant 0 : i32
      %dma_start3A_50 = tpu.memref_slice %arg4[%add3A_29, %dma_start3A_49] : memref<5120x1024xf32, #tpu.memory_space<hbm>> -> memref<40x1024xf32, #tpu.memory_space<hbm>>
      %dma_start3A_51 = arith.constant 0 : i32
      %dma_start3A_52 = tpu.memref_slice %arg4[%add3A_29, %dma_start3A_51] : memref<5120x1024xf32, #tpu.memory_space<hbm>> -> memref<40x1024xf32, #tpu.memory_space<hbm>>
      tpu.enqueue_dma source(%arg7 : memref<40x1024xf32, #tpu.memory_space<vmem>>) target(%dma_start3A_52 : memref<40x1024xf32, #tpu.memory_space<hbm>>) target_semaphore(%run_scoped3A : memref<!tpu.dma_semaphore, #tpu.memory_space<semaphore_mem>>)
      %dma_wait3A_53 = arith.constant 0 : i32
      %dma_wait3A_54 = tpu.memref_slice %arg4[%add3A_29, %dma_wait3A_53] : memref<5120x1024xf32, #tpu.memory_space<hbm>> -> memref<40x1024xf32, #tpu.memory_space<hbm>>
      %dma_wait3A_55 = arith.constant 0 : i32
      %dma_wait3A_56 = tpu.memref_slice %arg4[%add3A_29, %dma_wait3A_55] : memref<5120x1024xf32, #tpu.memory_space<hbm>> -> memref<40x1024xf32, #tpu.memory_space<hbm>>
      tpu.wait_dma2 semaphore(%run_scoped3A : memref<!tpu.dma_semaphore, #tpu.memory_space<semaphore_mem>>) src(%arg7 : memref<40x1024xf32, #tpu.memory_space<vmem>>) dst(%dma_wait3A_56 : memref<40x1024xf32, #tpu.memory_space<hbm>>)
      tpu.yield
    }) : () -> ()
    %dma_start3A_30 = arith.constant 120 : i32
    %dma_start3A_31 = tpu.memref_slice %arg5[%dma_start3A_30] : memref<160xi32, #tpu.memory_space<vmem>> -> memref<40xi32, #tpu.memory_space<vmem>>
    %dma_start3A_32 = arith.constant 0 : i32
    %dma_start3A_33 = arith.constant 0 : i32
    %dma_start3A_34 = tpu.memref_slice %arg2[%dma_start3A_32, %dma_start3A_33] : memref<2048x1024xf32, #tpu.memory_space<hbm>> -> memref<2048x1024xf32, #tpu.memory_space<hbm>>
    tpu.enqueue_indirect_dma source(%dma_start3A_34 : memref<2048x1024xf32, #tpu.memory_space<hbm>>) target(%arg7 : memref<40x1024xf32, #tpu.memory_space<vmem>>) offsets(%dma_start3A_31 : memref<40xi32, #tpu.memory_space<vmem>>) semaphore(%arg9 : memref<!tpu.dma_semaphore, #tpu.memory_space<semaphore_mem>>)
    %dma_wait3A_35 = arith.constant 80 : i32
    %dma_wait3A_36 = tpu.memref_slice %arg5[%dma_wait3A_35] : memref<160xi32, #tpu.memory_space<vmem>> -> memref<40xi32, #tpu.memory_space<vmem>>
    %dma_wait3A_37 = arith.constant 0 : i32
    %dma_wait3A_38 = arith.constant 0 : i32
    %dma_wait3A_39 = tpu.memref_slice %arg2[%dma_wait3A_37, %dma_wait3A_38] : memref<2048x1024xf32, #tpu.memory_space<hbm>> -> memref<2048x1024xf32, #tpu.memory_space<hbm>>
    tpu.wait_indirect_dma semaphore(%arg8 : memref<!tpu.dma_semaphore, #tpu.memory_space<semaphore_mem>>) src(%dma_wait3A_39 : memref<2048x1024xf32, #tpu.memory_space<hbm>>) dst(%arg6 : memref<40x1024xf32, #tpu.memory_space<vmem>>)
    %add3A_40 = arith.constant 80 : i32
    %add3A_41 = arith.addi %mul3A_2, %add3A_40 : i32
    "tpu.region"() ({
      %run_scoped3A = tpu.sem_alloc : memref<!tpu.dma_semaphore, #tpu.memory_space<semaphore_mem>>
      %dma_start3A_49 = arith.constant 0 : i32
      %dma_start3A_50 = tpu.memref_slice %arg4[%add3A_41, %dma_start3A_49] : memref<5120x1024xf32, #tpu.memory_space<hbm>> -> memref<40x1024xf32, #tpu.memory_space<hbm>>
      %dma_start3A_51 = arith.constant 0 : i32
      %dma_start3A_52 = tpu.memref_slice %arg4[%add3A_41, %dma_start3A_51] : memref<5120x1024xf32, #tpu.memory_space<hbm>> -> memref<40x1024xf32, #tpu.memory_space<hbm>>
      tpu.enqueue_dma source(%arg6 : memref<40x1024xf32, #tpu.memory_space<vmem>>) target(%dma_start3A_52 : memref<40x1024xf32, #tpu.memory_space<hbm>>) target_semaphore(%run_scoped3A : memref<!tpu.dma_semaphore, #tpu.memory_space<semaphore_mem>>)
      %dma_wait3A_53 = arith.constant 0 : i32
      %dma_wait3A_54 = tpu.memref_slice %arg4[%add3A_41, %dma_wait3A_53] : memref<5120x1024xf32, #tpu.memory_space<hbm>> -> memref<40x1024xf32, #tpu.memory_space<hbm>>
      %dma_wait3A_55 = arith.constant 0 : i32
      %dma_wait3A_56 = tpu.memref_slice %arg4[%add3A_41, %dma_wait3A_55] : memref<5120x1024xf32, #tpu.memory_space<hbm>> -> memref<40x1024xf32, #tpu.memory_space<hbm>>
      tpu.wait_dma2 semaphore(%run_scoped3A : memref<!tpu.dma_semaphore, #tpu.memory_space<semaphore_mem>>) src(%arg6 : memref<40x1024xf32, #tpu.memory_space<vmem>>) dst(%dma_wait3A_56 : memref<40x1024xf32, #tpu.memory_space<hbm>>)
      tpu.yield
    }) : () -> ()
    %dma_wait3A_42 = arith.constant 120 : i32
    %dma_wait3A_43 = tpu.memref_slice %arg5[%dma_wait3A_42] : memref<160xi32, #tpu.memory_space<vmem>> -> memref<40xi32, #tpu.memory_space<vmem>>
    %dma_wait3A_44 = arith.constant 0 : i32
    %dma_wait3A_45 = arith.constant 0 : i32
    %dma_wait3A_46 = tpu.memref_slice %arg2[%dma_wait3A_44, %dma_wait3A_45] : memref<2048x1024xf32, #tpu.memory_space<hbm>> -> memref<2048x1024xf32, #tpu.memory_space<hbm>>
    tpu.wait_indirect_dma semaphore(%arg9 : memref<!tpu.dma_semaphore, #tpu.memory_space<semaphore_mem>>) src(%dma_wait3A_46 : memref<2048x1024xf32, #tpu.memory_space<hbm>>) dst(%arg7 : memref<40x1024xf32, #tpu.memory_space<vmem>>)
    %add3A_47 = arith.constant 120 : i32
    %add3A_48 = arith.addi %mul3A_2, %add3A_47 : i32
    "tpu.region"() ({
      %run_scoped3A = tpu.sem_alloc : memref<!tpu.dma_semaphore, #tpu.memory_space<semaphore_mem>>
      %dma_start3A_49 = arith.constant 0 : i32
      %dma_start3A_50 = tpu.memref_slice %arg4[%add3A_48, %dma_start3A_49] : memref<5120x1024xf32, #tpu.memory_space<hbm>> -> memref<40x1024xf32, #tpu.memory_space<hbm>>
      %dma_start3A_51 = arith.constant 0 : i32
      %dma_start3A_52 = tpu.memref_slice %arg4[%add3A_48, %dma_start3A_51] : memref<5120x1024xf32, #tpu.memory_space<hbm>> -> memref<40x1024xf32, #tpu.memory_space<hbm>>
      tpu.enqueue_dma source(%arg7 : memref<40x1024xf32, #tpu.memory_space<vmem>>) target(%dma_start3A_52 : memref<40x1024xf32, #tpu.memory_space<hbm>>) target_semaphore(%run_scoped3A : memref<!tpu.dma_semaphore, #tpu.memory_space<semaphore_mem>>)
      %dma_wait3A_53 = arith.constant 0 : i32
      %dma_wait3A_54 = tpu.memref_slice %arg4[%add3A_48, %dma_wait3A_53] : memref<5120x1024xf32, #tpu.memory_space<hbm>> -> memref<40x1024xf32, #tpu.memory_space<hbm>>
      %dma_wait3A_55 = arith.constant 0 : i32
      %dma_wait3A_56 = tpu.memref_slice %arg4[%add3A_48, %dma_wait3A_55] : memref<5120x1024xf32, #tpu.memory_space<hbm>> -> memref<40x1024xf32, #tpu.memory_space<hbm>>
      tpu.wait_dma2 semaphore(%run_scoped3A : memref<!tpu.dma_semaphore, #tpu.memory_space<semaphore_mem>>) src(%arg7 : memref<40x1024xf32, #tpu.memory_space<vmem>>) dst(%dma_wait3A_56 : memref<40x1024xf32, #tpu.memory_space<hbm>>)
      tpu.yield
    }) : () -> ()
    return
  }
}

#map = affine_map<(d0, d1) -> (0, 0)>
#map1 = affine_map<(d0, d1) -> (0)>
module attributes {stable_mosaic.version = 14 : i64} {
  func.func @body(%arg0: i32, %arg1: i32, %arg2: memref<5120x1024xf32, #tpu.memory_space<hbm>>, %arg3: memref<4096xi32, #tpu.memory_space<hbm>>, %arg4: memref<4096x1024xf32, #tpu.memory_space<hbm>>, %arg5: memref<128xi32, #tpu.memory_space<vmem>>, %arg6: memref<32x1024xf32, #tpu.memory_space<vmem>>, %arg7: memref<32x1024xf32, #tpu.memory_space<vmem>>, %arg8: memref<!tpu.dma_semaphore, #tpu.memory_space<semaphore_mem>>, %arg9: memref<!tpu.dma_semaphore, #tpu.memory_space<semaphore_mem>>) attributes {dimension_semantics = [#tpu.dimension_semantics<core_parallel>, #tpu.dimension_semantics<subcore_parallel>], iteration_bounds = array<i64: 2, 16>, scalar_prefetch = 0 : i64, scratch_operands = 5 : i64, tpu.core_type = #tpu.core_type<sc_vector_subcore>, window_params = [{transform_indices = #map}, {transform_indices = #map1}, {transform_indices = #map}]} {
    %mul3A = arith.constant 2 : i32
    %mul3A_0 = arith.muli %arg1, %mul3A : i32
    %add3A = arith.addi %mul3A_0, %arg0 : i32
    %mul3A_1 = arith.constant 128 : i32
    %mul3A_2 = arith.muli %add3A, %mul3A_1 : i32
    "tpu.region"() ({
      %run_scoped3A = tpu.sem_alloc : memref<!tpu.dma_semaphore, #tpu.memory_space<semaphore_mem>>
      %dma_start3A_49 = tpu.memref_slice %arg3[%mul3A_2] : memref<4096xi32, #tpu.memory_space<hbm>> -> memref<128xi32, #tpu.memory_space<hbm>>
      %dma_start3A_50 = tpu.memref_slice %arg3[%mul3A_2] : memref<4096xi32, #tpu.memory_space<hbm>> -> memref<128xi32, #tpu.memory_space<hbm>>
      tpu.enqueue_dma source(%dma_start3A_50 : memref<128xi32, #tpu.memory_space<hbm>>) target(%arg5 : memref<128xi32, #tpu.memory_space<vmem>>) target_semaphore(%run_scoped3A : memref<!tpu.dma_semaphore, #tpu.memory_space<semaphore_mem>>)
      %dma_wait3A_51 = tpu.memref_slice %arg3[%mul3A_2] : memref<4096xi32, #tpu.memory_space<hbm>> -> memref<128xi32, #tpu.memory_space<hbm>>
      %dma_wait3A_52 = tpu.memref_slice %arg3[%mul3A_2] : memref<4096xi32, #tpu.memory_space<hbm>> -> memref<128xi32, #tpu.memory_space<hbm>>
      tpu.wait_dma2 semaphore(%run_scoped3A : memref<!tpu.dma_semaphore, #tpu.memory_space<semaphore_mem>>) src(%dma_wait3A_52 : memref<128xi32, #tpu.memory_space<hbm>>) dst(%arg5 : memref<128xi32, #tpu.memory_space<vmem>>)
      tpu.yield
    }) : () -> ()
    %dma_start3A = arith.constant 0 : i32
    %dma_start3A_3 = tpu.memref_slice %arg5[%dma_start3A] : memref<128xi32, #tpu.memory_space<vmem>> -> memref<32xi32, #tpu.memory_space<vmem>>
    %dma_start3A_4 = arith.constant 0 : i32
    %dma_start3A_5 = arith.constant 0 : i32
    %dma_start3A_6 = tpu.memref_slice %arg2[%dma_start3A_4, %dma_start3A_5] : memref<5120x1024xf32, #tpu.memory_space<hbm>> -> memref<5120x1024xf32, #tpu.memory_space<hbm>>
    tpu.enqueue_indirect_dma source(%dma_start3A_6 : memref<5120x1024xf32, #tpu.memory_space<hbm>>) target(%arg6 : memref<32x1024xf32, #tpu.memory_space<vmem>>) offsets(%dma_start3A_3 : memref<32xi32, #tpu.memory_space<vmem>>) semaphore(%arg8 : memref<!tpu.dma_semaphore, #tpu.memory_space<semaphore_mem>>)
    %dma_start3A_7 = arith.constant 32 : i32
    %dma_start3A_8 = tpu.memref_slice %arg5[%dma_start3A_7] : memref<128xi32, #tpu.memory_space<vmem>> -> memref<32xi32, #tpu.memory_space<vmem>>
    %dma_start3A_9 = arith.constant 0 : i32
    %dma_start3A_10 = arith.constant 0 : i32
    %dma_start3A_11 = tpu.memref_slice %arg2[%dma_start3A_9, %dma_start3A_10] : memref<5120x1024xf32, #tpu.memory_space<hbm>> -> memref<5120x1024xf32, #tpu.memory_space<hbm>>
    tpu.enqueue_indirect_dma source(%dma_start3A_11 : memref<5120x1024xf32, #tpu.memory_space<hbm>>) target(%arg7 : memref<32x1024xf32, #tpu.memory_space<vmem>>) offsets(%dma_start3A_8 : memref<32xi32, #tpu.memory_space<vmem>>) semaphore(%arg9 : memref<!tpu.dma_semaphore, #tpu.memory_space<semaphore_mem>>)
    %dma_wait3A = arith.constant 0 : i32
    %dma_wait3A_12 = tpu.memref_slice %arg5[%dma_wait3A] : memref<128xi32, #tpu.memory_space<vmem>> -> memref<32xi32, #tpu.memory_space<vmem>>
    %dma_wait3A_13 = arith.constant 0 : i32
    %dma_wait3A_14 = arith.constant 0 : i32
    %dma_wait3A_15 = tpu.memref_slice %arg2[%dma_wait3A_13, %dma_wait3A_14] : memref<5120x1024xf32, #tpu.memory_space<hbm>> -> memref<5120x1024xf32, #tpu.memory_space<hbm>>
    tpu.wait_indirect_dma semaphore(%arg8 : memref<!tpu.dma_semaphore, #tpu.memory_space<semaphore_mem>>) src(%dma_wait3A_15 : memref<5120x1024xf32, #tpu.memory_space<hbm>>) dst(%arg6 : memref<32x1024xf32, #tpu.memory_space<vmem>>)
    %add3A_16 = arith.constant 0 : i32
    %add3A_17 = arith.addi %mul3A_2, %add3A_16 : i32
    "tpu.region"() ({
      %run_scoped3A = tpu.sem_alloc : memref<!tpu.dma_semaphore, #tpu.memory_space<semaphore_mem>>
      %dma_start3A_49 = arith.constant 0 : i32
      %dma_start3A_50 = tpu.memref_slice %arg4[%add3A_17, %dma_start3A_49] : memref<4096x1024xf32, #tpu.memory_space<hbm>> -> memref<32x1024xf32, #tpu.memory_space<hbm>>
      %dma_start3A_51 = arith.constant 0 : i32
      %dma_start3A_52 = tpu.memref_slice %arg4[%add3A_17, %dma_start3A_51] : memref<4096x1024xf32, #tpu.memory_space<hbm>> -> memref<32x1024xf32, #tpu.memory_space<hbm>>
      tpu.enqueue_dma source(%arg6 : memref<32x1024xf32, #tpu.memory_space<vmem>>) target(%dma_start3A_52 : memref<32x1024xf32, #tpu.memory_space<hbm>>) target_semaphore(%run_scoped3A : memref<!tpu.dma_semaphore, #tpu.memory_space<semaphore_mem>>)
      %dma_wait3A_53 = arith.constant 0 : i32
      %dma_wait3A_54 = tpu.memref_slice %arg4[%add3A_17, %dma_wait3A_53] : memref<4096x1024xf32, #tpu.memory_space<hbm>> -> memref<32x1024xf32, #tpu.memory_space<hbm>>
      %dma_wait3A_55 = arith.constant 0 : i32
      %dma_wait3A_56 = tpu.memref_slice %arg4[%add3A_17, %dma_wait3A_55] : memref<4096x1024xf32, #tpu.memory_space<hbm>> -> memref<32x1024xf32, #tpu.memory_space<hbm>>
      tpu.wait_dma2 semaphore(%run_scoped3A : memref<!tpu.dma_semaphore, #tpu.memory_space<semaphore_mem>>) src(%arg6 : memref<32x1024xf32, #tpu.memory_space<vmem>>) dst(%dma_wait3A_56 : memref<32x1024xf32, #tpu.memory_space<hbm>>)
      tpu.yield
    }) : () -> ()
    %dma_start3A_18 = arith.constant 64 : i32
    %dma_start3A_19 = tpu.memref_slice %arg5[%dma_start3A_18] : memref<128xi32, #tpu.memory_space<vmem>> -> memref<32xi32, #tpu.memory_space<vmem>>
    %dma_start3A_20 = arith.constant 0 : i32
    %dma_start3A_21 = arith.constant 0 : i32
    %dma_start3A_22 = tpu.memref_slice %arg2[%dma_start3A_20, %dma_start3A_21] : memref<5120x1024xf32, #tpu.memory_space<hbm>> -> memref<5120x1024xf32, #tpu.memory_space<hbm>>
    tpu.enqueue_indirect_dma source(%dma_start3A_22 : memref<5120x1024xf32, #tpu.memory_space<hbm>>) target(%arg6 : memref<32x1024xf32, #tpu.memory_space<vmem>>) offsets(%dma_start3A_19 : memref<32xi32, #tpu.memory_space<vmem>>) semaphore(%arg8 : memref<!tpu.dma_semaphore, #tpu.memory_space<semaphore_mem>>)
    %dma_wait3A_23 = arith.constant 32 : i32
    %dma_wait3A_24 = tpu.memref_slice %arg5[%dma_wait3A_23] : memref<128xi32, #tpu.memory_space<vmem>> -> memref<32xi32, #tpu.memory_space<vmem>>
    %dma_wait3A_25 = arith.constant 0 : i32
    %dma_wait3A_26 = arith.constant 0 : i32
    %dma_wait3A_27 = tpu.memref_slice %arg2[%dma_wait3A_25, %dma_wait3A_26] : memref<5120x1024xf32, #tpu.memory_space<hbm>> -> memref<5120x1024xf32, #tpu.memory_space<hbm>>
    tpu.wait_indirect_dma semaphore(%arg9 : memref<!tpu.dma_semaphore, #tpu.memory_space<semaphore_mem>>) src(%dma_wait3A_27 : memref<5120x1024xf32, #tpu.memory_space<hbm>>) dst(%arg7 : memref<32x1024xf32, #tpu.memory_space<vmem>>)
    %add3A_28 = arith.constant 32 : i32
    %add3A_29 = arith.addi %mul3A_2, %add3A_28 : i32
    "tpu.region"() ({
      %run_scoped3A = tpu.sem_alloc : memref<!tpu.dma_semaphore, #tpu.memory_space<semaphore_mem>>
      %dma_start3A_49 = arith.constant 0 : i32
      %dma_start3A_50 = tpu.memref_slice %arg4[%add3A_29, %dma_start3A_49] : memref<4096x1024xf32, #tpu.memory_space<hbm>> -> memref<32x1024xf32, #tpu.memory_space<hbm>>
      %dma_start3A_51 = arith.constant 0 : i32
      %dma_start3A_52 = tpu.memref_slice %arg4[%add3A_29, %dma_start3A_51] : memref<4096x1024xf32, #tpu.memory_space<hbm>> -> memref<32x1024xf32, #tpu.memory_space<hbm>>
      tpu.enqueue_dma source(%arg7 : memref<32x1024xf32, #tpu.memory_space<vmem>>) target(%dma_start3A_52 : memref<32x1024xf32, #tpu.memory_space<hbm>>) target_semaphore(%run_scoped3A : memref<!tpu.dma_semaphore, #tpu.memory_space<semaphore_mem>>)
      %dma_wait3A_53 = arith.constant 0 : i32
      %dma_wait3A_54 = tpu.memref_slice %arg4[%add3A_29, %dma_wait3A_53] : memref<4096x1024xf32, #tpu.memory_space<hbm>> -> memref<32x1024xf32, #tpu.memory_space<hbm>>
      %dma_wait3A_55 = arith.constant 0 : i32
      %dma_wait3A_56 = tpu.memref_slice %arg4[%add3A_29, %dma_wait3A_55] : memref<4096x1024xf32, #tpu.memory_space<hbm>> -> memref<32x1024xf32, #tpu.memory_space<hbm>>
      tpu.wait_dma2 semaphore(%run_scoped3A : memref<!tpu.dma_semaphore, #tpu.memory_space<semaphore_mem>>) src(%arg7 : memref<32x1024xf32, #tpu.memory_space<vmem>>) dst(%dma_wait3A_56 : memref<32x1024xf32, #tpu.memory_space<hbm>>)
      tpu.yield
    }) : () -> ()
    %dma_start3A_30 = arith.constant 96 : i32
    %dma_start3A_31 = tpu.memref_slice %arg5[%dma_start3A_30] : memref<128xi32, #tpu.memory_space<vmem>> -> memref<32xi32, #tpu.memory_space<vmem>>
    %dma_start3A_32 = arith.constant 0 : i32
    %dma_start3A_33 = arith.constant 0 : i32
    %dma_start3A_34 = tpu.memref_slice %arg2[%dma_start3A_32, %dma_start3A_33] : memref<5120x1024xf32, #tpu.memory_space<hbm>> -> memref<5120x1024xf32, #tpu.memory_space<hbm>>
    tpu.enqueue_indirect_dma source(%dma_start3A_34 : memref<5120x1024xf32, #tpu.memory_space<hbm>>) target(%arg7 : memref<32x1024xf32, #tpu.memory_space<vmem>>) offsets(%dma_start3A_31 : memref<32xi32, #tpu.memory_space<vmem>>) semaphore(%arg9 : memref<!tpu.dma_semaphore, #tpu.memory_space<semaphore_mem>>)
    %dma_wait3A_35 = arith.constant 64 : i32
    %dma_wait3A_36 = tpu.memref_slice %arg5[%dma_wait3A_35] : memref<128xi32, #tpu.memory_space<vmem>> -> memref<32xi32, #tpu.memory_space<vmem>>
    %dma_wait3A_37 = arith.constant 0 : i32
    %dma_wait3A_38 = arith.constant 0 : i32
    %dma_wait3A_39 = tpu.memref_slice %arg2[%dma_wait3A_37, %dma_wait3A_38] : memref<5120x1024xf32, #tpu.memory_space<hbm>> -> memref<5120x1024xf32, #tpu.memory_space<hbm>>
    tpu.wait_indirect_dma semaphore(%arg8 : memref<!tpu.dma_semaphore, #tpu.memory_space<semaphore_mem>>) src(%dma_wait3A_39 : memref<5120x1024xf32, #tpu.memory_space<hbm>>) dst(%arg6 : memref<32x1024xf32, #tpu.memory_space<vmem>>)
    %add3A_40 = arith.constant 64 : i32
    %add3A_41 = arith.addi %mul3A_2, %add3A_40 : i32
    "tpu.region"() ({
      %run_scoped3A = tpu.sem_alloc : memref<!tpu.dma_semaphore, #tpu.memory_space<semaphore_mem>>
      %dma_start3A_49 = arith.constant 0 : i32
      %dma_start3A_50 = tpu.memref_slice %arg4[%add3A_41, %dma_start3A_49] : memref<4096x1024xf32, #tpu.memory_space<hbm>> -> memref<32x1024xf32, #tpu.memory_space<hbm>>
      %dma_start3A_51 = arith.constant 0 : i32
      %dma_start3A_52 = tpu.memref_slice %arg4[%add3A_41, %dma_start3A_51] : memref<4096x1024xf32, #tpu.memory_space<hbm>> -> memref<32x1024xf32, #tpu.memory_space<hbm>>
      tpu.enqueue_dma source(%arg6 : memref<32x1024xf32, #tpu.memory_space<vmem>>) target(%dma_start3A_52 : memref<32x1024xf32, #tpu.memory_space<hbm>>) target_semaphore(%run_scoped3A : memref<!tpu.dma_semaphore, #tpu.memory_space<semaphore_mem>>)
      %dma_wait3A_53 = arith.constant 0 : i32
      %dma_wait3A_54 = tpu.memref_slice %arg4[%add3A_41, %dma_wait3A_53] : memref<4096x1024xf32, #tpu.memory_space<hbm>> -> memref<32x1024xf32, #tpu.memory_space<hbm>>
      %dma_wait3A_55 = arith.constant 0 : i32
      %dma_wait3A_56 = tpu.memref_slice %arg4[%add3A_41, %dma_wait3A_55] : memref<4096x1024xf32, #tpu.memory_space<hbm>> -> memref<32x1024xf32, #tpu.memory_space<hbm>>
      tpu.wait_dma2 semaphore(%run_scoped3A : memref<!tpu.dma_semaphore, #tpu.memory_space<semaphore_mem>>) src(%arg6 : memref<32x1024xf32, #tpu.memory_space<vmem>>) dst(%dma_wait3A_56 : memref<32x1024xf32, #tpu.memory_space<hbm>>)
      tpu.yield
    }) : () -> ()
    %dma_wait3A_42 = arith.constant 96 : i32
    %dma_wait3A_43 = tpu.memref_slice %arg5[%dma_wait3A_42] : memref<128xi32, #tpu.memory_space<vmem>> -> memref<32xi32, #tpu.memory_space<vmem>>
    %dma_wait3A_44 = arith.constant 0 : i32
    %dma_wait3A_45 = arith.constant 0 : i32
    %dma_wait3A_46 = tpu.memref_slice %arg2[%dma_wait3A_44, %dma_wait3A_45] : memref<5120x1024xf32, #tpu.memory_space<hbm>> -> memref<5120x1024xf32, #tpu.memory_space<hbm>>
    tpu.wait_indirect_dma semaphore(%arg9 : memref<!tpu.dma_semaphore, #tpu.memory_space<semaphore_mem>>) src(%dma_wait3A_46 : memref<5120x1024xf32, #tpu.memory_space<hbm>>) dst(%arg7 : memref<32x1024xf32, #tpu.memory_space<vmem>>)
    %add3A_47 = arith.constant 96 : i32
    %add3A_48 = arith.addi %mul3A_2, %add3A_47 : i32
    "tpu.region"() ({
      %run_scoped3A = tpu.sem_alloc : memref<!tpu.dma_semaphore, #tpu.memory_space<semaphore_mem>>
      %dma_start3A_49 = arith.constant 0 : i32
      %dma_start3A_50 = tpu.memref_slice %arg4[%add3A_48, %dma_start3A_49] : memref<4096x1024xf32, #tpu.memory_space<hbm>> -> memref<32x1024xf32, #tpu.memory_space<hbm>>
      %dma_start3A_51 = arith.constant 0 : i32
      %dma_start3A_52 = tpu.memref_slice %arg4[%add3A_48, %dma_start3A_51] : memref<4096x1024xf32, #tpu.memory_space<hbm>> -> memref<32x1024xf32, #tpu.memory_space<hbm>>
      tpu.enqueue_dma source(%arg7 : memref<32x1024xf32, #tpu.memory_space<vmem>>) target(%dma_start3A_52 : memref<32x1024xf32, #tpu.memory_space<hbm>>) target_semaphore(%run_scoped3A : memref<!tpu.dma_semaphore, #tpu.memory_space<semaphore_mem>>)
      %dma_wait3A_53 = arith.constant 0 : i32
      %dma_wait3A_54 = tpu.memref_slice %arg4[%add3A_48, %dma_wait3A_53] : memref<4096x1024xf32, #tpu.memory_space<hbm>> -> memref<32x1024xf32, #tpu.memory_space<hbm>>
      %dma_wait3A_55 = arith.constant 0 : i32
      %dma_wait3A_56 = tpu.memref_slice %arg4[%add3A_48, %dma_wait3A_55] : memref<4096x1024xf32, #tpu.memory_space<hbm>> -> memref<32x1024xf32, #tpu.memory_space<hbm>>
      tpu.wait_dma2 semaphore(%run_scoped3A : memref<!tpu.dma_semaphore, #tpu.memory_space<semaphore_mem>>) src(%arg7 : memref<32x1024xf32, #tpu.memory_space<vmem>>) dst(%dma_wait3A_56 : memref<32x1024xf32, #tpu.memory_space<hbm>>)
      tpu.yield
    }) : () -> ()
    return
  }
}

module attributes {stable_mosaic.version = 14 : i64} {
  func.func @_gemm_body(%arg0: i32, %arg1: memref<40xi32, #tpu.memory_space<smem>>, %arg2: memref<128x1024xf32, #tpu.memory_space<vmem>>, %arg3: memref<1x1024x2048xbf16, #tpu.memory_space<vmem>>, %arg4: memref<1x1024x2048xbf16, #tpu.memory_space<vmem>>, %arg5: memref<1x1x2048xf32, #tpu.memory_space<vmem>>, %arg6: memref<1x1x2048xf32, #tpu.memory_space<vmem>>, %arg7: memref<1x2048x1024xbf16, #tpu.memory_space<vmem>>, %arg8: memref<1x1x1024xf32, #tpu.memory_space<vmem>>, %arg9: memref<128x128xf32, #tpu.memory_space<vmem>>, %arg10: memref<128x1024xf32, #tpu.memory_space<vmem>>) attributes {dimension_semantics = [#tpu.dimension_semantics<arbitrary>], iteration_bounds = array<i64: 40>, scalar_prefetch = 1 : i64, scratch_operands = 0 : i64, tpu.core_type = #tpu.core_type<tc>, window_params = [{transform_indices = @transform_0, window_bounds = array<i64: 128, 1024>}, {transform_indices = @transform_1, window_bounds = array<i64: 1, 1024, 2048>}, {transform_indices = @transform_2, window_bounds = array<i64: 1, 1024, 2048>}, {transform_indices = @transform_3, window_bounds = array<i64: 1, 1, 2048>}, {transform_indices = @transform_4, window_bounds = array<i64: 1, 1, 2048>}, {transform_indices = @transform_5, window_bounds = array<i64: 1, 2048, 1024>}, {transform_indices = @transform_6, window_bounds = array<i64: 1, 1, 1024>}, {transform_indices = @transform_7, window_bounds = array<i64: 128, 128>}, {transform_indices = @transform_8, window_bounds = array<i64: 128, 1024>}]} {
    %get3A = arith.constant 0 : index
    %get3A_0 = arith.constant 0 : index
    %get3A_1 = vector.load %arg2[%get3A, %get3A_0] : memref<128x1024xf32, #tpu.memory_space<vmem>>, vector<128x1024xf32>
    %convert_element_type3A = arith.truncf %get3A_1 : vector<128x1024xf32> to vector<128x1024xbf16>
    %get3A_2 = arith.constant 0 : index
    %get3A_3 = arith.constant 0 : index
    %get3A_4 = arith.constant 0 : index
    %get3A_5 = vector.load %arg3[%get3A_2, %get3A_3, %get3A_4] : memref<1x1024x2048xbf16, #tpu.memory_space<vmem>>, vector<1x1024x2048xbf16>
    %get3A_6 = vector.shape_cast %get3A_5 : vector<1x1024x2048xbf16> to vector<1024x2048xbf16>
    %dot_general3A = arith.constant dense<0.000000e+00> : vector<128x2048xf32>
    %dot_general3A_7 = tpu.matmul %convert_element_type3A, %get3A_6, %dot_general3A {dimension_numbers = #tpu.dot_dimension_numbers<[1], [0], [0], [1], [0, 0, 1, 1], [], []>, transpose_lhs_hint = false} : vector<128x1024xbf16>, vector<1024x2048xbf16>, vector<128x2048xf32> -> vector<128x2048xf32>
    %get3A_8 = arith.constant 0 : index
    %get3A_9 = arith.constant 0 : index
    %get3A_10 = arith.constant 0 : index
    %get3A_11 = vector.load %arg5[%get3A_8, %get3A_9, %get3A_10] : memref<1x1x2048xf32, #tpu.memory_space<vmem>>, vector<1x1x2048xf32>
    %get3A_12 = vector.shape_cast %get3A_11 : vector<1x1x2048xf32> to vector<1x2048xf32>
    %add3A = vector.broadcast %get3A_12 : vector<1x2048xf32> to vector<128x2048xf32>
    %add3A_13 = arith.addf %dot_general3A_7, %add3A : vector<128x2048xf32>
    %get3A_14 = arith.constant 0 : index
    %get3A_15 = arith.constant 0 : index
    %get3A_16 = arith.constant 0 : index
    %get3A_17 = vector.load %arg4[%get3A_14, %get3A_15, %get3A_16] : memref<1x1024x2048xbf16, #tpu.memory_space<vmem>>, vector<1x1024x2048xbf16>
    %get3A_18 = vector.shape_cast %get3A_17 : vector<1x1024x2048xbf16> to vector<1024x2048xbf16>
    %dot_general3A_19 = arith.constant dense<0.000000e+00> : vector<128x2048xf32>
    %dot_general3A_20 = tpu.matmul %convert_element_type3A, %get3A_18, %dot_general3A_19 {dimension_numbers = #tpu.dot_dimension_numbers<[1], [0], [0], [1], [0, 0, 1, 1], [], []>, transpose_lhs_hint = false} : vector<128x1024xbf16>, vector<1024x2048xbf16>, vector<128x2048xf32> -> vector<128x2048xf32>
    %get3A_21 = arith.constant 0 : index
    %get3A_22 = arith.constant 0 : index
    %get3A_23 = arith.constant 0 : index
    %get3A_24 = vector.load %arg6[%get3A_21, %get3A_22, %get3A_23] : memref<1x1x2048xf32, #tpu.memory_space<vmem>>, vector<1x1x2048xf32>
    %get3A_25 = vector.shape_cast %get3A_24 : vector<1x1x2048xf32> to vector<1x2048xf32>
    %add3A_26 = vector.broadcast %get3A_25 : vector<1x2048xf32> to vector<128x2048xf32>
    %add3A_27 = arith.addf %dot_general3A_20, %add3A_26 : vector<128x2048xf32>
    %min3A = arith.constant 7.000000e+00 : f32
    %min3A_28 = vector.broadcast %min3A : f32 to vector<128x2048xf32>
    %min3A_29 = arith.minimumf %add3A_13, %min3A_28 : vector<128x2048xf32>
    %jit3A = arith.constant -7.000000e+00 : f32
    %jit3A_30 = arith.constant 7.000000e+00 : f32
    %max3A = vector.broadcast %jit3A : f32 to vector<128x2048xf32>
    %max3A_31 = arith.maximumf %max3A, %add3A_27 : vector<128x2048xf32>
    %min3A_32 = vector.broadcast %jit3A_30 : f32 to vector<128x2048xf32>
    %min3A_33 = arith.minimumf %min3A_32, %max3A_31 : vector<128x2048xf32>
    %add3A_34 = arith.constant 1.000000e+00 : f32
    %add3A_35 = vector.broadcast %add3A_34 : f32 to vector<128x2048xf32>
    %add3A_36 = arith.addf %min3A_33, %add3A_35 : vector<128x2048xf32>
    %mul3A = arith.constant 1.702000e+00 : f32
    %mul3A_37 = vector.broadcast %mul3A : f32 to vector<128x2048xf32>
    %mul3A_38 = arith.mulf %min3A_29, %mul3A_37 : vector<128x2048xf32>
    %logistic3A = arith.negf %mul3A_38 : vector<128x2048xf32>
    %logistic3A_39 = math.exp %logistic3A : vector<128x2048xf32>
    %logistic3A_40 = arith.constant 1.000000e+00 : f32
    %logistic3A_41 = vector.broadcast %logistic3A_40 : f32 to vector<128x2048xf32>
    %logistic3A_42 = arith.addf %logistic3A_41, %logistic3A_39 : vector<128x2048xf32>
    %logistic3A_43 = arith.divf %logistic3A_41, %logistic3A_42 : vector<128x2048xf32>
    %mul3A_44 = arith.mulf %min3A_29, %logistic3A_43 : vector<128x2048xf32>
    %mul3A_45 = arith.mulf %add3A_36, %mul3A_44 : vector<128x2048xf32>
    %convert_element_type3A_46 = arith.truncf %mul3A_45 : vector<128x2048xf32> to vector<128x2048xbf16>
    %get3A_47 = arith.constant 0 : index
    %get3A_48 = arith.constant 0 : index
    %get3A_49 = arith.constant 0 : index
    %get3A_50 = vector.load %arg7[%get3A_47, %get3A_48, %get3A_49] : memref<1x2048x1024xbf16, #tpu.memory_space<vmem>>, vector<1x2048x1024xbf16>
    %get3A_51 = vector.shape_cast %get3A_50 : vector<1x2048x1024xbf16> to vector<2048x1024xbf16>
    %dot_general3A_52 = arith.constant dense<0.000000e+00> : vector<128x1024xf32>
    %dot_general3A_53 = tpu.matmul %convert_element_type3A_46, %get3A_51, %dot_general3A_52 {dimension_numbers = #tpu.dot_dimension_numbers<[1], [0], [0], [1], [0, 0, 1, 1], [], []>, transpose_lhs_hint = false} : vector<128x2048xbf16>, vector<2048x1024xbf16>, vector<128x1024xf32> -> vector<128x1024xf32>
    %get3A_54 = arith.constant 0 : index
    %get3A_55 = arith.constant 0 : index
    %get3A_56 = arith.constant 0 : index
    %get3A_57 = vector.load %arg8[%get3A_54, %get3A_55, %get3A_56] : memref<1x1x1024xf32, #tpu.memory_space<vmem>>, vector<1x1x1024xf32>
    %get3A_58 = vector.shape_cast %get3A_57 : vector<1x1x1024xf32> to vector<1x1024xf32>
    %add3A_59 = vector.broadcast %get3A_58 : vector<1x1024xf32> to vector<128x1024xf32>
    %add3A_60 = arith.addf %dot_general3A_53, %add3A_59 : vector<128x1024xf32>
    %get3A_61 = arith.constant 0 : index
    %get3A_62 = arith.constant 0 : index
    %get3A_63 = vector.load %arg9[%get3A_61, %get3A_62] : memref<128x128xf32, #tpu.memory_space<vmem>>, vector<128x1xf32>
    %mul3A_64 = vector.broadcast %get3A_63 : vector<128x1xf32> to vector<128x1024xf32>
    %mul3A_65 = arith.mulf %add3A_60, %mul3A_64 : vector<128x1024xf32>
    %swap3A = arith.constant 0 : index
    %swap3A_66 = arith.constant 0 : index
    %swap3A_67 = vector.load %arg10[%swap3A, %swap3A_66] : memref<128x1024xf32, #tpu.memory_space<vmem>>, vector<128x1024xf32>
    tpu.vector_store %arg10[%swap3A, %swap3A_66], %mul3A_65 {strides = array<i32>} : memref<128x1024xf32, #tpu.memory_space<vmem>>, vector<128x1024xf32>,
    return
  }
  func.func @transform_0(%arg0: i32, %arg1: memref<40xi32, #tpu.memory_space<smem>>) -> (i32, i32) {
    %c0_i32 = arith.constant 0 : i32
    %c0_i32_0 = arith.constant 0 : i32
    return %arg0, %c0_i32 : i32, i32
  }
  func.func @transform_1(%arg0: i32, %arg1: memref<40xi32, #tpu.memory_space<smem>>) -> (i32, i32, i32) {
    %get3A = arith.index_cast %arg0 : i32 to index
    %get3A_0 = memref.load %arg1[%get3A] : memref<40xi32, #tpu.memory_space<smem>>
    %c0_i32 = arith.constant 0 : i32
    %c0_i32_1 = arith.constant 0 : i32
    %c0_i32_2 = arith.constant 0 : i32
    return %get3A_0, %c0_i32, %c0_i32_1 : i32, i32, i32
  }
  func.func @transform_2(%arg0: i32, %arg1: memref<40xi32, #tpu.memory_space<smem>>) -> (i32, i32, i32) {
    %get3A = arith.index_cast %arg0 : i32 to index
    %get3A_0 = memref.load %arg1[%get3A] : memref<40xi32, #tpu.memory_space<smem>>
    %c0_i32 = arith.constant 0 : i32
    %c0_i32_1 = arith.constant 0 : i32
    %c0_i32_2 = arith.constant 0 : i32
    return %get3A_0, %c0_i32, %c0_i32_1 : i32, i32, i32
  }
  func.func @transform_3(%arg0: i32, %arg1: memref<40xi32, #tpu.memory_space<smem>>) -> (i32, i32, i32) {
    %get3A = arith.index_cast %arg0 : i32 to index
    %get3A_0 = memref.load %arg1[%get3A] : memref<40xi32, #tpu.memory_space<smem>>
    %c0_i32 = arith.constant 0 : i32
    %c0_i32_1 = arith.constant 0 : i32
    %c0_i32_2 = arith.constant 0 : i32
    return %get3A_0, %c0_i32, %c0_i32_1 : i32, i32, i32
  }
  func.func @transform_4(%arg0: i32, %arg1: memref<40xi32, #tpu.memory_space<smem>>) -> (i32, i32, i32) {
    %get3A = arith.index_cast %arg0 : i32 to index
    %get3A_0 = memref.load %arg1[%get3A] : memref<40xi32, #tpu.memory_space<smem>>
    %c0_i32 = arith.constant 0 : i32
    %c0_i32_1 = arith.constant 0 : i32
    %c0_i32_2 = arith.constant 0 : i32
    return %get3A_0, %c0_i32, %c0_i32_1 : i32, i32, i32
  }
  func.func @transform_5(%arg0: i32, %arg1: memref<40xi32, #tpu.memory_space<smem>>) -> (i32, i32, i32) {
    %get3A = arith.index_cast %arg0 : i32 to index
    %get3A_0 = memref.load %arg1[%get3A] : memref<40xi32, #tpu.memory_space<smem>>
    %c0_i32 = arith.constant 0 : i32
    %c0_i32_1 = arith.constant 0 : i32
    %c0_i32_2 = arith.constant 0 : i32
    return %get3A_0, %c0_i32, %c0_i32_1 : i32, i32, i32
  }
  func.func @transform_6(%arg0: i32, %arg1: memref<40xi32, #tpu.memory_space<smem>>) -> (i32, i32, i32) {
    %get3A = arith.index_cast %arg0 : i32 to index
    %get3A_0 = memref.load %arg1[%get3A] : memref<40xi32, #tpu.memory_space<smem>>
    %c0_i32 = arith.constant 0 : i32
    %c0_i32_1 = arith.constant 0 : i32
    %c0_i32_2 = arith.constant 0 : i32
    return %get3A_0, %c0_i32, %c0_i32_1 : i32, i32, i32
  }
  func.func @transform_7(%arg0: i32, %arg1: memref<40xi32, #tpu.memory_space<smem>>) -> (i32, i32) {
    %c0_i32 = arith.constant 0 : i32
    %c0_i32_0 = arith.constant 0 : i32
    return %arg0, %c0_i32 : i32, i32
  }
  func.func @transform_8(%arg0: i32, %arg1: memref<40xi32, #tpu.memory_space<smem>>) -> (i32, i32) {
    %c0_i32 = arith.constant 0 : i32
    %c0_i32_0 = arith.constant 0 : i32
    return %arg0, %c0_i32 : i32, i32
  }
}

module attributes {stable_mosaic.version = 14 : i64} {
  func.func @_add_body(%arg0: i32, %arg1: memref<512x1024xf32, #tpu.memory_space<vmem>>, %arg2: memref<512x1024xf32, #tpu.memory_space<vmem>>, %arg3: memref<512x1024xf32, #tpu.memory_space<vmem>>) attributes {dimension_semantics = [#tpu.dimension_semantics<arbitrary>], iteration_bounds = array<i64: 4>, scalar_prefetch = 0 : i64, scratch_operands = 0 : i64, tpu.core_type = #tpu.core_type<tc>, window_params = [{transform_indices = @transform_0, window_bounds = array<i64: 512, 1024>}, {transform_indices = @transform_1, window_bounds = array<i64: 512, 1024>}, {transform_indices = @transform_2, window_bounds = array<i64: 512, 1024>}]} {
    %get3A = arith.constant 0 : index
    %get3A_0 = arith.constant 0 : index
    %get3A_1 = vector.load %arg1[%get3A, %get3A_0] : memref<512x1024xf32, #tpu.memory_space<vmem>>, vector<512x1024xf32>
    %get3A_2 = arith.constant 0 : index
    %get3A_3 = arith.constant 0 : index
    %get3A_4 = vector.load %arg2[%get3A_2, %get3A_3] : memref<512x1024xf32, #tpu.memory_space<vmem>>, vector<512x1024xf32>
    %add3A = arith.addf %get3A_1, %get3A_4 : vector<512x1024xf32>
    %swap3A = arith.constant 0 : index
    %swap3A_5 = arith.constant 0 : index
    %swap3A_6 = vector.load %arg3[%swap3A, %swap3A_5] : memref<512x1024xf32, #tpu.memory_space<vmem>>, vector<512x1024xf32>
    tpu.vector_store %arg3[%swap3A, %swap3A_5], %add3A {strides = array<i32>} : memref<512x1024xf32, #tpu.memory_space<vmem>>, vector<512x1024xf32>,
    return
  }
  func.func @transform_0(%arg0: i32) -> (i32, i32) {
    %c0_i32 = arith.constant 0 : i32
    %c0_i32_0 = arith.constant 0 : i32
    return %arg0, %c0_i32 : i32, i32
  }
  func.func @transform_1(%arg0: i32) -> (i32, i32) {
    %add3A = arith.constant 4 : i32
    %add3A_0 = arith.addi %arg0, %add3A : i32
    %c0_i32 = arith.constant 0 : i32
    %c0_i32_1 = arith.constant 0 : i32
    return %add3A_0, %c0_i32 : i32, i32
  }
  func.func @transform_2(%arg0: i32) -> (i32, i32) {
    %c0_i32 = arith.constant 0 : i32
    %c0_i32_0 = arith.constant 0 : i32
    return %arg0, %c0_i32 : i32, i32
  }
}

</mosaic_0001>

<sc_bundles>
// kernel: gather_offload_async_start
scs
__scs_entry_jumppad:
0x0: {  	(pc) =	sbr.rel $0x88, $3  }
0x1: {  	(tag) =	ssettag $0x0;
	lr =	simm.s32 $0x1  }
0x2: {  	[smem:$0x3F9A] =	sst lr;
	_ =	strace $0xD0000000  }
0x3: {  	_ = 	snop  }
0x4: {  	_ = 	snop  }
0x5: {  	_ = 	snop  }
0x6: {  	_ = 	snop  }
0x7: {  	_ = 	snop  }
__scs_overlays_trampoline_lowered:
0x8: {  	[smem:$0x3FA9] =	sst s0  }
0x9: {  	[smem:$0x3FAA] =	sst s1  }
0xa: {  	[smem:$0x3FAB] =	sst s2  }
0xb: {  	[smem:$0x3FAC] =	sst s3  }
0xc: {  	[smem:$0x3FAD] =	sst s4  }
0xd: {  	[smem:$0x3FAE] =	sst s5  }
0xe: {  	[smem:$0x3FAF] =	sst s6  }
0xf: {  	[smem:$0x3FB0] =	sst s7  }
0x10: {  	[smem:$0x3FB1] =	sst s8  }
0x11: {  	[smem:$0x3FB2] =	sst s9;
	s0 =	simm.s32 @!p0 $0x0  }
0x12: {  	s1 =	sld [smem:$0x3F98];
	s0 =	simm.s32 @p0 $0x1  }
0x13: {  	[smem:$0x3FB3] =	sst s0;
	s0 =	simm.s32 @!p1 $0x0  }
0x14: {  	s2 =	sld [smem:$0x3F97];
	s0 =	simm.s32 @p1 $0x1  }
0x15: {  	[smem:$0x3FB4] =	sst s0;
	s0 =	simm.s32 @!p2 $0x0  }
0x16: {  	s3 =	sld [smem:$0x3FDB];
	s0 =	simm.s32 @p2 $0x1  }
0x17: {  	s4 =	simm.s32 $0x1BF5;
	[smem:$0x3FB6] =	sst s0  }
0x18: {  	s0 =	sld [smem:$0x3F99];
	_ =	swait.ge [sflag:s4], $0x0  }
0x19: {  	s7 =	sld [smem:$0x3F9A]  }
0x1a: {  	s8 =	sadd.s32 $0xFFFFE003, lr  }
0x1b: {  	s9 =	sadd.s32 $0xFFFFFEF7, lr;
	s5 =	simm.s32 $0xFFFFFFFF;
	p2 =	slt.u32 s8, $0xFFFFF086  }
0x1c: {  	p1 =	slt.u32 s9, $0xF7A;
	s5 =	simm.s32 @!p2 $0x0  }
0x1d: {  	s5 =	simm.s32 @p1 $0x1;
	p0 =	seq.s32 s7, s2  }
0x1e: {  	s7 =	smul.u32 @!p0 $0xF7A, s2;
	p2 =	seq.s32 @!p0 s5, $0x0  }
0x1f: {  	s9 =	smul.u32 $0xF7A, s1;
	s8 =	simm.s32 @!p0 $0x1BF5;
	p2 =	por !p2, p0  }
0x20: {  	[sflag:s8] =	ssyncset.s32 @!p0 $0xFFFFF086;
	s6 =	sadd.s32 @!p0 s3, s7;
	s7 =	simm.s32 @!p0 $0x108  }
0x21: {  	s3 =	sadd.s32 s3, s9;
	s6 =	sadd.s32 @!p0 $0x88, s6;
	s7 =	simm.s32 @p2 $0x1082  }
0x22: {  	[simem:s7], [sflag:s8] =	dma.local @!p0 [hbm:s6], $0xF7A  }
0x23: {  	s9 =	sor.u32 $0xD0000000, s2;
	s6 =	simm.s32 $0x108;
	_ =	swait.ge @!p0 [sflag:s8], $0x0  }
0x24: {  	s3 =	sadd.s32 $0x88, s3;
	s6 =	simm.s32 @!p1 $0x1082;
	[sflag:s4] =	ssyncset.s32 $0xFFFFF086  }
0x25: {  	[simem:s6], [sflag:s4] =	dma.local [hbm:s3], $0xF7A  }
0x26: {  	[smem:$0x3F9A] =	sst s1;
	(tag) =	ssettag s2;
	_ =	strace s9  }
0x27: {  	s1 =	sld [smem:$0x3FAA]  }
0x28: {  	s2 =	sld [smem:$0x3FAB]  }
0x29: {  	s4 =	sld [smem:$0x3FAD]  }
0x2a: {  	p0 =	seq.s32 s5, $0x0;
	s5 =	sld [smem:$0x3FAE]  }
0x2b: {  	s6 =	sld [smem:$0x3FAF]  }
0x2c: {  	s7 =	sld [smem:$0x3FB0]  }
0x2d: {  	s3 =	simm.s32 $0x108;
	s8 =	sld [smem:$0x3FB1]  }
0x2e: {  	s3 =	simm.s32 @!p0 $0x1082;
	s9 =	sld [smem:$0x3FB2]  }
0x2f: {  	lr =	sadd.s32 s0, s3;
	s0 =	sld [smem:$0x3FA9]  }
0x30: {  	s3 =	sld [smem:$0x3FAC]  }
0x31: {  	[smem:$0x3FB5] =	sst s10  }
0x32: {  	s10 =	sld [smem:$0x3FB3];
	_ =	sdelay $0x3  }
0x33: {  	p0 =	seq.s32 s10, $0x1;
	s10 =	sld [smem:$0x3FB5];
	_ =	sdelay $0x3  }
0x34: {  	[smem:$0x3FB5] =	sst s10  }
0x35: {  	s10 =	sld [smem:$0x3FB4];
	_ =	sdelay $0x3  }
0x36: {  	p1 =	seq.s32 s10, $0x1;
	s10 =	sld [smem:$0x3FB5];
	_ =	sdelay $0x3  }
0x37: {  	[smem:$0x3FB5] =	sst s10  }
0x38: {  	s10 =	sld [smem:$0x3FB6]  }
0x39: {  	_ = 	snop;
	(pc) =	sbr.ind lr, $3  }
0x3a: {  	_ = 	snop  }
0x3b: {  	_ = 	snop  }
0x3c: {  	p2 =	seq.s32 s10, $0x1;
	s10 =	sld [smem:$0x3FB5]  }
0x3d: {  	_ =	shalt  }
0x3e: {  	_ =	shalt  }
0x3f: {  	_ =	shalt  }
0x40: {  	_ =	shalt  }
0x41: {  	_ =	shalt  }
0x42: {  	_ =	shalt  }
0x43: {  	_ =	shalt  }
0x44: {  	_ =	shalt  }
0x45: {  	_ =	shalt  }
0x46: {  	_ =	shalt  }
0x47: {  	_ =	shalt  }
0x48: {  	_ =	shalt  }
0x49: {  	_ =	shalt  }
0x4a: {  	_ =	shalt  }
0x4b: {  	_ =	shalt  }
0x4c: {  	_ =	shalt  }
0x4d: {  	_ =	shalt  }
0x4e: {  	_ =	shalt  }
0x4f: {  	_ =	shalt  }
0x50: {  	_ =	shalt  }
0x51: {  	_ =	shalt  }
0x52: {  	_ =	shalt  }
0x53: {  	_ =	shalt  }
0x54: {  	_ =	shalt  }
0x55: {  	_ =	shalt  }
0x56: {  	_ =	shalt  }
0x57: {  	_ =	shalt  }
0x58: {  	_ =	shalt  }
0x59: {  	_ =	shalt  }
0x5a: {  	_ =	shalt  }
0x5b: {  	_ =	shalt  }
0x5c: {  	_ =	shalt  }
0x5d: {  	_ =	shalt  }
0x5e: {  	_ =	shalt  }
0x5f: {  	_ =	shalt  }
0x60: {  	_ =	shalt  }
0x61: {  	_ =	shalt  }
0x62: {  	_ =	shalt  }
0x63: {  	_ =	shalt  }
0x64: {  	_ =	shalt  }
0x65: {  	_ =	shalt  }
0x66: {  	_ =	shalt  }
0x67: {  	_ =	shalt  }
0x68: {  	_ =	shalt  }
0x69: {  	_ =	shalt  }
0x6a: {  	_ =	shalt  }
0x6b: {  	_ =	shalt  }
0x6c: {  	_ =	shalt  }
0x6d: {  	_ =	shalt  }
0x6e: {  	_ =	shalt  }
0x6f: {  	_ =	shalt  }
0x70: {  	_ =	shalt  }
0x71: {  	_ =	shalt  }
0x72: {  	_ =	shalt  }
0x73: {  	_ =	shalt  }
0x74: {  	_ =	shalt  }
0x75: {  	_ =	shalt  }
0x76: {  	_ =	shalt  }
0x77: {  	_ =	shalt  }
0x78: {  	_ =	shalt  }
0x79: {  	_ =	shalt  }
0x7a: {  	_ =	shalt  }
0x7b: {  	_ =	shalt  }
0x7c: {  	_ =	shalt  }
0x7d: {  	_ =	shalt  }
0x7e: {  	_ =	shalt  }
0x7f: {  	_ =	shalt  }
0x80: {  	_ =	shalt  }
0x81: {  	_ =	shalt  }
0x82: {  	_ =	shalt  }
0x83: {  	_ =	shalt  }
0x84: {  	_ =	shalt  }
0x85: {  	_ =	shalt  }
0x86: {  	_ =	shalt  }
0x87: {  	_ =	shalt  }
.Lfunc_end0:
.L_simem_size_0:
called_computation.1_lowered:
.L_overlay_start_0:
0x88: {  	s2 =	sld [smem:$0x3FD9]  }
0x89: {  	s3 =	sld [smem:$0x3FFE];
	_ =	sdelay $0x1  }
0x8a: {  	s1 =	srdreg.scid  }
0x8b: {  	s0 =	sand.u32 $0x1, s1  }
0x8c: {  	s17 =	sshll.u32 s0, $0xA;
	s2 =	sadd.s32 s3, s2  }
0x8d: {  	s2 =	sadd.s32 s2, s17  }
0x8e: {  	[smem:$0x3FC1] =	sst s2  }
0x8f: {  	_ = 	snop  }
0x90: {  	s2 =	sld [smem:$0x3FD0];
	(tm) =	ssettm $0x1  }
0x91: {  	s18 =	sld [smem:$0x3FFB];
	_ =	sdelay $0x3  }
0x92: {  	_ =	strace s18  }
0x93: {  	s3 =	sld [smem:$0x3FFC];
	_ =	sdelay $0x3  }
0x94: {  	_ =	strace s3  }
0x95: {  	s3 =	sld [smem:$0x3FFD];
	_ =	sdelay $0x3  }
0x96: {  	_ =	strace s3  }
0x97: {  	_ =	strace $0x8FFFFFFF  }
0x98: {  	s19 =	sld [smem:$0x3FDB];
	_ =	sdelay $0x1  }
0x99: {  	s4 =	simm.s32 $_scs_section_size  }
0x9a: {  	s5 =	simm.s32 $_size__tile_overlayer_lowered;
	s6 =	simm.s32 $_tile_overlayer_lowered  }
0x9b: {  	s22 =	simm.s32 $0x1BFF;
	s21 =	sshll.u32 s6, $0x1;
	s3 =	sadd.s32 s4, s19  }
0x9c: {  	s7 =	simm.s32 $0x0;
	s20 =	sshll.u32 s5, $0x1;
	s5 =	sadd.s32 s21, s3  }
0x9d: {  	[timem:s7], [sflag:s22] =	dma.local [hbm:s5], s20  }
0x9e: {  	_ =	swait.ge [sflag:s22], s20  }
0x9f: {  	s4 =	ssub.s32 $0x0, s20;
	[sflag:s22] =	ssyncset.done $0x0  }
0xa0: {  	[sflag:s22] =	ssyncadd.s32 s4;
	_ =	sdelay $0x1  }
0xa1: {  	s23 =	simm.s32 $0x1B8B  }
0xa2: {  	_ =	swait.ge [sflag:s23], $0x1  }
0xa3: {  	[sflag:s23] =	ssyncset.done $0x0  }
0xa4: {  	s25 =	simm.s32 $0x1B8E;
	s24 =	sld [smem:$0x3FFE];
	[sflag:s23] =	ssyncadd.s32 $0xFFFFFFFF  }
0xa5: {  	s26 =	simm.s32 $execute0_lowered;
	[smem:$0x3FD2] =	sst s25  }
0xa6: {  	s5 =	sshll.u32 s26, $0x1;
	_ =	strace $0x80000046;
	[dreg:$0x1] =	wrdreg $0xFFFFFFFF  }
0xa7: {  	s28 =	simm.s32 $_size_execute0_lowered;
	s3 =	sadd.s32 s3, s5;
	[dreg:$0x0] =	wrdreg $0x0  }
0xa8: {  	s5 =	sshll.u32 s28, $0x1;
	[dreg:$0x2] =	wrdreg s3  }
0xa9: {  	[dreg:$0x3] =	wrdreg s5  }
0xaa: {  	[dreg:$0x4] =	wrdreg $0xC0  }
0xab: {  	_ =	task [dreg:s7], $0x5FFFF  }
0xac: {  	[dreg:$0x1] =	wrdreg $0xFFFFFFFF  }
0xad: {  	[dreg:$0x0] =	wrdreg $0x60  }
0xae: {  	[dreg:$0x2] =	wrdreg s2  }
0xaf: {  	[dreg:$0x3] =	wrdreg s24  }
0xb0: {  	[dreg:$0x4] =	wrdreg $0xA  }
0xb1: {  	_ =	task.clear_ibuf [dreg:s7], $0x5FFFF;
	_ =	strace $0x90000046  }
0xb2: {  	s29 =	simm.s32 $0xA;
	_ =	strace $0x80000048  }
0xb3: {  	_ =	swait.ge [sflag:s29], $0x1  }
0xb4: {  	[sflag:s29] =	ssyncadd.s32 $0xFFFFFFFF  }
0xb5: {  	_ =	strace $0x90000048  }
0xb6: {  	_ =	sfence  }
0xb7: {  	s30 =	sld [smem:$0x0];
	_ =	sdelay $0x2  }
0xb8: {  	s31 =	sshll.u32 s1, $0xD;
	s1 =	sshrl.u32 s1, $0x2  }
0xb9: {  	s3 =	sand.u32 $0x4000, s31;
	s1 =	sadd.s32 s1, s30  }
0xba: {  	s0 =	sor.u32 s3, s0;
	s1 =	sshll.u32 s1, $0x11  }
0xbb: {  	s0 =	sor.u32 s1, s0  }
0xbc: {  	s0 =	sadd.s32 $0x8F2B, s0  }
0xbd: {  	[sflag:s0] =	ssyncadd.remote.s32 $0x1  }
0xbe: {  	_ =	sfence.sel $0xFFFF  }
0xbf: {  	[dreg:$0x0] =	wrdreg $0xFFFFFFFF;
	(pc) =	sbr.abs _section_cstart, $3  }
0xc0: {  	[dreg:$0x1] =	wrdreg $0xFFFFFFFF  }
0xc1: {  	_ =	task.clear_ibuf [dreg:s7], $0x2FFFF;
	_ =	strace $0x9FFFFFFF  }
0xc2: {  	(tm) =	ssettm $0x7FFFFFFF  }
0xc3: {  	_ =	shalt  }
tec
execute0_lowered:
.L_overlay_start_1:
0x0: {  	(tag) =	ssettag $0x1  }
0x1: {  	s1 =	srdreg.scid;
	s2 =	rddreg [dreg:$0x0]  }
0x2: {  	s0 =	stileid.u32;
	s5 =	rddreg [dreg:$0x1];
	s6 =	simm.s32 $0x1  }
0x3: {  	s9 =	simm.s32 $0x1;
	s10 =	simm.s32 $0x3;
	s1 =	sshll.u32 s1, $0x6  }
0x4: {  	s13 =	simm.s32 $0x0;
	s3 =	sshll.u32 s0, $0x7;
	s4 =	sand.u32 $0x40, s1  }
0x5: {  	s12 =	simm.s32 $0x0;
	s1 =	rddreg [dreg:$0x2];
	s3 =	sor.u32 s3, s4  }
0x6: {  	_ =	strace $0x80000047;
	s4 =	sadd.s32 $0x9000, s5;
	s8 =	ssub.s32 $0x1000, s3  }
.Ltmp0:
0x7: {  	s5 =	sadd.s32 $0x209200, s5;
	s7 =	sand.u32 $0x7C0, s8;
	(pc) =	sbr.rel .LBB2_1-.Ltmp0, $4  }
0x8: {  	[sflag:s6] =	ssyncpa.u1 $0x0;
	s11 =	smov.u32 s3;
	p0 =	sne.s32 s7, $0x0  }
0x9: {  	s8 =	sshrl.u32 s8, $0xB;
	s7 =	simm.s32 $0x2;
	s9 =	simm.s32 @!p0 $0x0  }
0xa: {  	[sflag:s7] =	ssyncpa.u1 $0x0;
	p0 =	por $0x0, $0x0;
	s8 =	sadd.s32 s9, s8  }
0xb: {  	vm0 =	vmmov $0xffff;
	[sflag:s10] =	ssyncpa.u1 $0x0;
	s10 =	simm.s32 $0x0;
	s9 =	sadd.s32 $0x1, s8  }
.LBB2_4:
0xc: {  	v5 =	vshrl.u32 v1, $0xC;
	v6 =	vshll.u32 v1, $0x7  }
0xd: {  	vm1 =	veq.s32 v1, $0x80000000;
	v58 =	vand.u32 $0x7, v5;
	v59 =	vand.u32 $0x7FF80, v6  }
0xe: {  	v1 =	vsel vm1, $0xFFFFFFFF, v58;
	v5 =	vsel vm1, $0xFFFFFF80, v59  }
0xf: {  	v3 =	vor.u32 v4, v3;
	v60 =	vand.u32 $0xFFFFFC00, v5;
	v61 =	vand.u32 $0xFFFFFC00, v1  }
0x10: {  	v2 =	vor.u32 v2, v3;
	v63 =	vand.u32 $0x380, v5;
	v62 =	vadd.s32 v61, v60  }
0x11: {  	v1 =	vand.u32 $0x7F, v1;
	v3 =	vor.u32 v63, v62  }
0x12: {  	v1 =	vor.u32 v1, v3  }
0x13: {  	[tilespmem:s15], [sflag:$0x1] =	stream.indirect_vreg.gather [hbm4b:s2+s10], $0x1, v0, vm0, $0x4038;
	[tilespmem:$0x100] =	vst v63  }
0x14: {  	(ifvalue) =	ssetifvalue $0x7FFFFFFF  }
0x15: {  	[tilespmem:s16], [sflag:$0x1] =	stream.indirect_vreg.gather [hbm4b:s2+s10], $0x1, v2, vm0, $0x4038;
	[tilespmem:$0x100] =	vst v63  }
0x16: {  	s29 =	sadd.s32 $0x10, s16;
	(ifvalue) =	ssetifvalue $0x7FFFFFFF  }
0x17: {  	[tilespmem:s29], [sflag:$0x1] =	stream.indirect_vreg.gather [hbm4b:s2+s10], $0x1, v1, vm0, $0x4038;
	[tilespmem:$0x100] =	vst v63  }
0x18: {  	_ =	swait.ge [sflag:s6], $0x40  }
0x19: {  	s30 =	sshrl.u32 s13, $0x3;
	[sflag:s6] =	ssyncset.done $0x0  }
0x1a: {  	s31 =	sand.u32 $0x7, s13;
	s15 =	sadd.s32 s5, s30;
	[sflag:s6] =	ssyncadd.s32 $0xFFFFFFC0  }
0x1b: {  	[hbm4b:s15+s31] =	stream.linear.scatter [tilespmem:s14], [sflag:$0x3], $0x40, $0x38;
	[tilespmem:$0x100] =	vst v63  }
.LBB2_5:
0x1c: {  	s15 =	sadd.s32 $0x800, s11  }
0x1d: {  	p2 =	sgt.s32 s15, $0xFFF  }
0x1e: {  	s15 =	smov.u32 @p2 s3;
	p2 =	sne.s32 s12, s9  }
.Ltmp1:
0x1f: {  	p1 =	slt.u32 s12, $0x2;
	(pc) =	sbr.rel @!p2 .LBB2_6-.Ltmp1, $4  }
0x20: {  	s14 =	simm.s32 @!p1 $0x3  }
0x21: {  	s16 =	sadd.s32 $0x1, s12;
	_ =	swait.ge @!p1 [sflag:s14], $0x40  }
0x22: {  	s13 =	smov.u32 s11;
	p0 =	por !p0, !p0;
	[sflag:s14] =	ssyncset.done @!p1 $0x0  }
0x23: {  	s12 =	smov.u32 s16;
	s11 =	smov.u32 s15;
	[sflag:s14] =	ssyncadd.s32 @!p1 $0xFFFFFFC0  }
.LBB2_1:
0x24: {  	p1 =	sge.u32 s12, s8  }
0x25: {  	s14 =	sxor.u32 @!p1 $0xFFFFFFFF, s12  }
0x26: {  	s31 =	sadd.s32 $0xFFFFFFFF, s12;
	s15 =	sshrl.u32 @!p1 s11, $0x3;
	s14 =	sshll.u32 @!p1 s14, $0x6  }
0x27: {  	s16 =	sand.u32 @!p1 $0x7, s11;
	s15 =	sadd.s32 @!p1 s4, s15;
	s14 =	sand.u32 @!p1 $0x40, s14  }
0x28: {  	[tilespmem:s14], [sflag:$0x2] =	stream.linear.gather @!p1 [hbm4b:s15+s16], $0x40, $0x38;
	[tilespmem:$0x100] =	vst v63  }
0x29: {  	p1 =	sge.u32 s31, s8  }
.Ltmp2:
0x2a: {  	_ = 	snop;
	(pc) =	sbr.rel @p1 .LBB2_5-.Ltmp2, $1  }
0x2b: {  	_ =	sdelay $0x3  }
0x2c: {  	s14 =	simm.s32 $0x1  }
0x2d: {  	_ =	swait.ge [sflag:s7], $0x40;
	s14 =	simm.s32 @!p0 $0x0  }
0x2e: {  	[sflag:s7] =	ssyncset.done $0x0;
	s14 =	sshll.u32 s14, $0x6  }
0x2f: {  	[sflag:s7] =	ssyncadd.s32 $0xFFFFFFC0;
	(ifvalue) =	ssetifvalue $0x7FFFFFFF;
	v0 =	vld.msk [tilespmem:s14+$0x0 ss:$0x1], $0xffff;
	_ =	sdelay $0x4  }
0x30: {  	s15 =	sadd.s32 $0x10, s14;
	v2 =	vshrl.u32 v0, $0xC;
	v3 =	vshll.u32 v0, $0x7  }
0x31: {  	v1 =	vld.msk [tilespmem:s15+$0x0 ss:$0x1], $0xffff;
	vm1 =	veq.s32 v0, $0x80000000;
	v0 =	vand.u32 $0x7, v2;
	v2 =	vand.u32 $0x7FF80, v3  }
0x32: {  	v0 =	vsel vm1, $0xFFFFFFFF, v0;
	v2 =	vsel vm1, $0xFFFFFF80, v2  }
0x33: {  	v3 =	vand.u32 $0xFFFFFC00, v2;
	v4 =	vand.u32 $0xFFFFFC00, v0  }
0x34: {  	v2 =	vand.u32 $0x380, v2;
	v3 =	vadd.s32 v4, v3  }
0x35: {  	v0 =	vand.u32 $0x7F, v0;
	v2 =	vor.u32 v2, v3  }
0x36: {  	v5 =	vshll.u32 v1, $0x7;
	v4 =	vshrl.u32 v1, $0xC;
	v0 =	vor.u32 v0, v2  }
0x37: {  	s16 =	sshll.u32 s12, $0x6;
	vm1 =	veq.s32 v1, $0x80000000;
	v1 =	vand.u32 $0x7, v4;
	v4 =	vand.u32 $0x7FF80, v5  }
0x38: {  	s16 =	sand.u32 $0x40, s16;
	s18 =	sadd.s32 $0x10, s15;
	v3 =	vsel vm1, $0xFFFFFFFF, v1;
	v4 =	vsel vm1, $0xFFFFFF80, v4  }
0x39: {  	s17 =	simm.s32 $0x20;
	s15 =	sor.u32 $0x80, s14;
	s14 =	sor.u32 $0x80, s16;
	v1 =	vld.msk [tilespmem:s18+$0x0 ss:$0x1], $0xffff;
	v5 =	vand.u32 $0xFFFFFC00, v4;
	v6 =	vand.u32 $0xFFFFFC00, v3  }
0x3a: {  	s16 =	sadd.s32 $0x10, s15;
	s18 =	sadd.s32 $0x10, s18;
	(ifvalue) =	ssetifvalue $0x7FFFFFFF;
	v2 =	vand.u32 $0x7F, v3;
	v4 =	vand.u32 $0x380, v4;
	v3 =	vadd.s32 v6, v5  }
.LBB2_3:
0x3b: {  	[tilespmem:s15], [sflag:$0x1] =	stream.indirect_vreg.gather [hbm4b:s2+s10], $0x1, v0, vm0, $0x4038;
	[tilespmem:$0x100] =	vst v63  }
0x3c: {  	s17 =	sadd.s32 $0x10, s17  }
0x3d: {  	v3 =	vor.u32 v4, v3;
	p1 =	slt.u32 s17, $0x30  }
.Ltmp3:
0x3e: {  	v4 =	vshrl.u32 v1, $0xC;
	v5 =	vshll.u32 v1, $0x7;
	s15 =	smov.u32 s16;
	v0 =	vor.u32 v2, v3;
	v2 =	vmovc v1;
	v1 =	vld.msk [tilespmem:s18+$0x0 ss:$0x1], $0xffff;
	(pc) =	sbr.rel @p1 .LBB2_3-.Ltmp3, $4  }
0x3f: {  	v3 =	vand.u32 $0x7FF80, v5;
	vm1 =	veq.s32 v2, $0x80000000;
	v2 =	vand.u32 $0x7, v4  }
0x40: {  	v4 =	vsel vm1, $0xFFFFFFFF, v2;
	v5 =	vsel vm1, $0xFFFFFF80, v3  }
0x41: {  	v2 =	vand.u32 $0x7F, v4;
	v3 =	vand.u32 $0xFFFFFC00, v5;
	v4 =	vand.u32 $0xFFFFFC00, v4  }
0x42: {  	s16 =	sadd.s32 $0x10, s16;
	s18 =	sadd.s32 $0x10, s18;
	v3 =	vadd.s32 v4, v3;
	v4 =	vand.u32 $0x380, v5;
	(ifvalue) =	ssetifvalue $0x7FFFFFFF  }
.Ltmp4:
0x43: {  	_ = 	snop;
	(pc) =	sbr.rel .LBB2_4-.Ltmp4, $1  }
0x44: {  	_ =	sdelay $0x3  }
.LBB2_6:
0x45: {  	_ =	sfence.sel $0x180000  }
0x46: {  	s2 =	simm.s32 $0x2;
	[bflag:$0x0] =	sbarrier.arrive $0xFFFF  }
0x47: {  	s30 =	simm.s32 $0x3;
	[sflag:s2] =	ssyncpa.u1 $0x1  }
0x48: {  	s31 =	simm.s32 $0x1;
	[sflag:s30] =	ssyncpa.u1 $0x1  }
0x49: {  	[sflag:s31] =	ssyncpa.u1 $0x1  }
0x4a: {  	p0 =	sne.s32 s0, $0x0;
	_ =	strace $0x90000047  }
0x4b: {  	s0 =	sadd.s32 @!p0 $0x100000, s1;
	[bflag:$0x2] =	sbarrier.arrive $0xFFFF  }
0x4c: {  	[sflag:s0] =	ssyncadd.tile.s32 @!p0 $0x1;
	_ =	shalt  }
.Lfunc_end2:
_tile_overlayer_lowered:
.L_overlay_start_2:
0x4d: {  	(tag) =	ssettag $0x2  }
0x4e: {  	s0 =	rddreg [dreg:$0x0];
	s2 =	stileid.u32  }
0x4f: {  	s1 =	rddreg [dreg:$0x1];
	p0 =	sne.s32 s2, $0x0  }
0x50: {  	s3 =	rddreg [dreg:$0x2];
	[bflag:$0x3] =	sbarrier.arrive $0xFFFF;
	s2 =	simm.s32 @!p0 $0x1C01  }
0x51: {  	[timem:s3], [sflag:s2] =	dma.local @!p0 [hbm:s0], s1  }
0x52: {  	s0 =	simm.s32 @!p0 $0x1  }
0x53: {  	_ =	swait.ge @!p0 [sflag:s0], s1  }
0x54: {  	s1 =	ssub.s32 @!p0 $0x0, s1;
	[sflag:s0] =	ssyncset.done @!p0 $0x0  }
0x55: {  	[sflag:s0] =	ssyncadd.s32 @!p0 s1  }
0x56: {  	[bflag:$0x3] =	sbarrier.arrive $0xFFFF  }
0x57: {  	_ =	shalt  }

// kernel: kernel.6.cloned.1.call-start
scs
__scs_entry_jumppad:
0x0: {  	(pc) =	sbr.rel $0x88, $3  }
0x1: {  	(tag) =	ssettag $0x0;
	lr =	simm.s32 $0x1  }
0x2: {  	[smem:$0x3F9A] =	sst lr;
	_ =	strace $0xD0000000  }
0x3: {  	_ = 	snop  }
0x4: {  	_ = 	snop  }
0x5: {  	_ = 	snop  }
0x6: {  	_ = 	snop  }
0x7: {  	_ = 	snop  }
__scs_overlays_trampoline_lowered:
0x8: {  	[smem:$0x3FA9] =	sst s0  }
0x9: {  	[smem:$0x3FAA] =	sst s1  }
0xa: {  	[smem:$0x3FAB] =	sst s2  }
0xb: {  	[smem:$0x3FAC] =	sst s3  }
0xc: {  	[smem:$0x3FAD] =	sst s4  }
0xd: {  	[smem:$0x3FAE] =	sst s5  }
0xe: {  	[smem:$0x3FAF] =	sst s6  }
0xf: {  	[smem:$0x3FB0] =	sst s7  }
0x10: {  	[smem:$0x3FB1] =	sst s8  }
0x11: {  	[smem:$0x3FB2] =	sst s9;
	s0 =	simm.s32 @!p0 $0x0  }
0x12: {  	s1 =	sld [smem:$0x3F98];
	s0 =	simm.s32 @p0 $0x1  }
0x13: {  	[smem:$0x3FB3] =	sst s0;
	s0 =	simm.s32 @!p1 $0x0  }
0x14: {  	s2 =	sld [smem:$0x3F97];
	s0 =	simm.s32 @p1 $0x1  }
0x15: {  	[smem:$0x3FB4] =	sst s0;
	s0 =	simm.s32 @!p2 $0x0  }
0x16: {  	s3 =	sld [smem:$0x3FDB];
	s0 =	simm.s32 @p2 $0x1  }
0x17: {  	s4 =	simm.s32 $0x1BF5;
	[smem:$0x3FB6] =	sst s0  }
0x18: {  	s0 =	sld [smem:$0x3F99];
	_ =	swait.ge [sflag:s4], $0x0  }
0x19: {  	s7 =	sld [smem:$0x3F9A]  }
0x1a: {  	s8 =	sadd.s32 $0xFFFFE003, lr  }
0x1b: {  	s9 =	sadd.s32 $0xFFFFFEF7, lr;
	s5 =	simm.s32 $0xFFFFFFFF;
	p2 =	slt.u32 s8, $0xFFFFF086  }
0x1c: {  	p1 =	slt.u32 s9, $0xF7A;
	s5 =	simm.s32 @!p2 $0x0  }
0x1d: {  	s5 =	simm.s32 @p1 $0x1;
	p0 =	seq.s32 s7, s2  }
0x1e: {  	s7 =	smul.u32 @!p0 $0xF7A, s2;
	p2 =	seq.s32 @!p0 s5, $0x0  }
0x1f: {  	s9 =	smul.u32 $0xF7A, s1;
	s8 =	simm.s32 @!p0 $0x1BF5;
	p2 =	por !p2, p0  }
0x20: {  	[sflag:s8] =	ssyncset.s32 @!p0 $0xFFFFF086;
	s6 =	sadd.s32 @!p0 s3, s7;
	s7 =	simm.s32 @!p0 $0x108  }
0x21: {  	s3 =	sadd.s32 s3, s9;
	s6 =	sadd.s32 @!p0 $0x88, s6;
	s7 =	simm.s32 @p2 $0x1082  }
0x22: {  	[simem:s7], [sflag:s8] =	dma.local @!p0 [hbm:s6], $0xF7A  }
0x23: {  	s9 =	sor.u32 $0xD0000000, s2;
	s6 =	simm.s32 $0x108;
	_ =	swait.ge @!p0 [sflag:s8], $0x0  }
0x24: {  	s3 =	sadd.s32 $0x88, s3;
	s6 =	simm.s32 @!p1 $0x1082;
	[sflag:s4] =	ssyncset.s32 $0xFFFFF086  }
0x25: {  	[simem:s6], [sflag:s4] =	dma.local [hbm:s3], $0xF7A  }
0x26: {  	[smem:$0x3F9A] =	sst s1;
	(tag) =	ssettag s2;
	_ =	strace s9  }
0x27: {  	s1 =	sld [smem:$0x3FAA]  }
0x28: {  	s2 =	sld [smem:$0x3FAB]  }
0x29: {  	s4 =	sld [smem:$0x3FAD]  }
0x2a: {  	p0 =	seq.s32 s5, $0x0;
	s5 =	sld [smem:$0x3FAE]  }
0x2b: {  	s6 =	sld [smem:$0x3FAF]  }
0x2c: {  	s7 =	sld [smem:$0x3FB0]  }
0x2d: {  	s3 =	simm.s32 $0x108;
	s8 =	sld [smem:$0x3FB1]  }
0x2e: {  	s3 =	simm.s32 @!p0 $0x1082;
	s9 =	sld [smem:$0x3FB2]  }
0x2f: {  	lr =	sadd.s32 s0, s3;
	s0 =	sld [smem:$0x3FA9]  }
0x30: {  	s3 =	sld [smem:$0x3FAC]  }
0x31: {  	[smem:$0x3FB5] =	sst s10  }
0x32: {  	s10 =	sld [smem:$0x3FB3];
	_ =	sdelay $0x3  }
0x33: {  	p0 =	seq.s32 s10, $0x1;
	s10 =	sld [smem:$0x3FB5];
	_ =	sdelay $0x3  }
0x34: {  	[smem:$0x3FB5] =	sst s10  }
0x35: {  	s10 =	sld [smem:$0x3FB4];
	_ =	sdelay $0x3  }
0x36: {  	p1 =	seq.s32 s10, $0x1;
	s10 =	sld [smem:$0x3FB5];
	_ =	sdelay $0x3  }
0x37: {  	[smem:$0x3FB5] =	sst s10  }
0x38: {  	s10 =	sld [smem:$0x3FB6]  }
0x39: {  	_ = 	snop;
	(pc) =	sbr.ind lr, $3  }
0x3a: {  	_ = 	snop  }
0x3b: {  	_ = 	snop  }
0x3c: {  	p2 =	seq.s32 s10, $0x1;
	s10 =	sld [smem:$0x3FB5]  }
0x3d: {  	_ =	shalt  }
0x3e: {  	_ =	shalt  }
0x3f: {  	_ =	shalt  }
0x40: {  	_ =	shalt  }
0x41: {  	_ =	shalt  }
0x42: {  	_ =	shalt  }
0x43: {  	_ =	shalt  }
0x44: {  	_ =	shalt  }
0x45: {  	_ =	shalt  }
0x46: {  	_ =	shalt  }
0x47: {  	_ =	shalt  }
0x48: {  	_ =	shalt  }
0x49: {  	_ =	shalt  }
0x4a: {  	_ =	shalt  }
0x4b: {  	_ =	shalt  }
0x4c: {  	_ =	shalt  }
0x4d: {  	_ =	shalt  }
0x4e: {  	_ =	shalt  }
0x4f: {  	_ =	shalt  }
0x50: {  	_ =	shalt  }
0x51: {  	_ =	shalt  }
0x52: {  	_ =	shalt  }
0x53: {  	_ =	shalt  }
0x54: {  	_ =	shalt  }
0x55: {  	_ =	shalt  }
0x56: {  	_ =	shalt  }
0x57: {  	_ =	shalt  }
0x58: {  	_ =	shalt  }
0x59: {  	_ =	shalt  }
0x5a: {  	_ =	shalt  }
0x5b: {  	_ =	shalt  }
0x5c: {  	_ =	shalt  }
0x5d: {  	_ =	shalt  }
0x5e: {  	_ =	shalt  }
0x5f: {  	_ =	shalt  }
0x60: {  	_ =	shalt  }
0x61: {  	_ =	shalt  }
0x62: {  	_ =	shalt  }
0x63: {  	_ =	shalt  }
0x64: {  	_ =	shalt  }
0x65: {  	_ =	shalt  }
0x66: {  	_ =	shalt  }
0x67: {  	_ =	shalt  }
0x68: {  	_ =	shalt  }
0x69: {  	_ =	shalt  }
0x6a: {  	_ =	shalt  }
0x6b: {  	_ =	shalt  }
0x6c: {  	_ =	shalt  }
0x6d: {  	_ =	shalt  }
0x6e: {  	_ =	shalt  }
0x6f: {  	_ =	shalt  }
0x70: {  	_ =	shalt  }
0x71: {  	_ =	shalt  }
0x72: {  	_ =	shalt  }
0x73: {  	_ =	shalt  }
0x74: {  	_ =	shalt  }
0x75: {  	_ =	shalt  }
0x76: {  	_ =	shalt  }
0x77: {  	_ =	shalt  }
0x78: {  	_ =	shalt  }
0x79: {  	_ =	shalt  }
0x7a: {  	_ =	shalt  }
0x7b: {  	_ =	shalt  }
0x7c: {  	_ =	shalt  }
0x7d: {  	_ =	shalt  }
0x7e: {  	_ =	shalt  }
0x7f: {  	_ =	shalt  }
0x80: {  	_ =	shalt  }
0x81: {  	_ =	shalt  }
0x82: {  	_ =	shalt  }
0x83: {  	_ =	shalt  }
0x84: {  	_ =	shalt  }
0x85: {  	_ =	shalt  }
0x86: {  	_ =	shalt  }
0x87: {  	_ =	shalt  }
.Lfunc_end0:
.L_simem_size_0:
called_computation.2_lowered:
.L_overlay_start_0:
0x88: {  	s2 =	sld [smem:$0x3FD9]  }
0x89: {  	s3 =	sld [smem:$0x3FFE];
	_ =	sdelay $0x1  }
0x8a: {  	s1 =	srdreg.scid  }
0x8b: {  	s0 =	sand.u32 $0x1, s1  }
0x8c: {  	s17 =	sshll.u32 s0, $0xA;
	s2 =	sadd.s32 s3, s2  }
0x8d: {  	s2 =	sadd.s32 s2, s17  }
0x8e: {  	[smem:$0x3FC1] =	sst s2  }
0x8f: {  	_ = 	snop  }
0x90: {  	s18 =	sld [smem:$0x3FC9]  }
0x91: {  	s4 =	sld [smem:$0x3FD0];
	(tm) =	ssettm $0x1  }
0x92: {  	s19 =	sld [smem:$0x3FFB];
	_ =	sdelay $0x3  }
0x93: {  	_ =	strace s19  }
0x94: {  	s2 =	sld [smem:$0x3FFC];
	_ =	sdelay $0x3  }
0x95: {  	_ =	strace s2  }
0x96: {  	s2 =	sld [smem:$0x3FFD];
	_ =	sdelay $0x3  }
0x97: {  	_ =	strace s2  }
0x98: {  	_ =	strace $0x8FFFFFFF  }
0x99: {  	s20 =	sld [smem:$0x3FDB];
	_ =	sdelay $0x1  }
0x9a: {  	s5 =	simm.s32 $_scs_section_size  }
0x9b: {  	s6 =	simm.s32 $_size__tile_overlayer_lowered;
	s7 =	simm.s32 $_tile_overlayer_lowered  }
0x9c: {  	s8 =	simm.s32 $0x1BFF;
	s21 =	sshll.u32 s7, $0x1;
	s5 =	sadd.s32 s5, s20  }
0x9d: {  	s22 =	simm.s32 $0x0;
	s6 =	sshll.u32 s6, $0x1;
	s7 =	sadd.s32 s21, s5  }
0x9e: {  	[timem:s22], [sflag:s8] =	dma.local [hbm:s7], s6  }
0x9f: {  	_ =	swait.ge [sflag:s8], s6  }
0xa0: {  	s6 =	ssub.s32 $0x0, s6;
	[sflag:s8] =	ssyncset.done $0x0  }
0xa1: {  	[sflag:s8] =	ssyncadd.s32 s6;
	_ =	sdelay $0x1  }
0xa2: {  	s23 =	simm.s32 $0x1B8B  }
0xa3: {  	_ =	swait.ge [sflag:s23], $0x1  }
0xa4: {  	[sflag:s23] =	ssyncset.done $0x0  }
0xa5: {  	[sflag:s23] =	ssyncadd.s32 $0xFFFFFFFF  }
0xa6: {  	s6 =	sld [smem:$0x0]  }
0xa7: {  	s7 =	sand.u32 $0xFFFFFFFE, s1  }
0xa8: {  	p0 =	sne.s32 s1, s7  }
0xa9: {  	s7 =	sshll.u32 @p0 s7, $0xE  }
0xaa: {  	s7 =	sadd.s32 @p0 $0x11B8D, s7;
	s8 =	sshll.u32 @p0 s6, $0x11  }
0xab: {  	s7 =	sor.u32 @p0 s8, s7  }
0xac: {  	[sflag:s7] =	ssyncadd.remote.s32 @p0 $0x1;
	_ =	sdelay $0x1  }
0xad: {  	s7 =	simm.s32 @p0 $0x1B8D  }
0xae: {  	_ =	swait.eq @p0 [sflag:s7], $0x1  }
0xaf: {  	[sflag:s7] =	ssyncadd.s32 @p0 $0xFFFFFFFF  }
0xb0: {  	s8 =	sshll.u32 @!p0 s1, $0xE  }
0xb1: {  	s8 =	sor.u32 @!p0 $0x4000, s8;
	s7 =	simm.s32 @!p0 $0x1B8D  }
0xb2: {  	s6 =	sshll.u32 @!p0 s6, $0x11;
	s8 =	sadd.s32 @!p0 $0x11B8D, s8;
	_ =	swait.eq @!p0 [sflag:s7], $0x1  }
0xb3: {  	s6 =	sor.u32 @!p0 s6, s8;
	[sflag:s7] =	ssyncadd.s32 @!p0 $0xFFFFFFFF  }
0xb4: {  	s25 =	simm.s32 $0x1B8E;
	s24 =	sld [smem:$0x3FFE];
	[sflag:s6] =	ssyncadd.remote.s32 @!p0 $0x1  }
0xb5: {  	s26 =	simm.s32 $execute0_lowered;
	[smem:$0x3FD2] =	sst s25  }
0xb6: {  	s7 =	sshll.u32 s26, $0x1;
	_ =	strace $0x8000004C;
	[dreg:$0x1] =	wrdreg $0xFFFFFFFF  }
0xb7: {  	s28 =	simm.s32 $_size_execute0_lowered;
	s5 =	sadd.s32 s5, s7;
	[dreg:$0x0] =	wrdreg $0x0  }
0xb8: {  	s7 =	sshll.u32 s28, $0x1;
	[dreg:$0x2] =	wrdreg s5  }
0xb9: {  	[dreg:$0x3] =	wrdreg s7  }
0xba: {  	[dreg:$0x4] =	wrdreg $0xC0  }
0xbb: {  	_ =	task [dreg:s22], $0x5FFFF  }
0xbc: {  	[dreg:$0x1] =	wrdreg $0xFFFFFFFF  }
0xbd: {  	[dreg:$0x0] =	wrdreg $0x60  }
0xbe: {  	[dreg:$0x2] =	wrdreg s18  }
0xbf: {  	[dreg:$0x3] =	wrdreg s4  }
0xc0: {  	[dreg:$0x4] =	wrdreg s24  }
0xc1: {  	[dreg:$0x5] =	wrdreg $0xA  }
0xc2: {  	_ =	task.clear_ibuf [dreg:s22], $0x6FFFF;
	_ =	strace $0x9000004C  }
0xc3: {  	s29 =	simm.s32 $0xA;
	_ =	strace $0x8000004E  }
0xc4: {  	_ =	swait.ge [sflag:s29], $0x1  }
0xc5: {  	[sflag:s29] =	ssyncadd.s32 $0xFFFFFFFF  }
0xc6: {  	_ =	strace $0x9000004E  }
0xc7: {  	_ =	sfence  }
0xc8: {  	s30 =	sld [smem:$0x0];
	_ =	sdelay $0x2  }
0xc9: {  	s31 =	sshll.u32 s1, $0xD;
	s1 =	sshrl.u32 s1, $0x2  }
0xca: {  	s4 =	sand.u32 $0x4000, s31;
	s1 =	sadd.s32 s1, s30  }
0xcb: {  	s0 =	sor.u32 s4, s0;
	s1 =	sshll.u32 s1, $0x11  }
0xcc: {  	s0 =	sor.u32 s1, s0  }
0xcd: {  	s0 =	sadd.s32 $0x8F2B, s0  }
0xce: {  	[sflag:s0] =	ssyncadd.remote.s32 $0x1  }
0xcf: {  	_ =	sfence.sel $0xFFFF  }
0xd0: {  	[dreg:$0x0] =	wrdreg $0xFFFFFFFF;
	(pc) =	sbr.abs _section_cstart, $3  }
0xd1: {  	[dreg:$0x1] =	wrdreg $0xFFFFFFFF  }
0xd2: {  	_ =	task.clear_ibuf [dreg:s22], $0x2FFFF;
	_ =	strace $0x9FFFFFFF  }
0xd3: {  	(tm) =	ssettm $0x7FFFFFFF  }
tec
execute0_lowered:
.L_overlay_start_1:
0x0: {  	(tag) =	ssettag $0x1  }
0x1: {  	s1 =	rddreg [dreg:$0x0]  }
0x2: {  	s0 =	rddreg [dreg:$0x1];
	s2 =	srdreg.scid  }
0x3: {  	s3 =	stileid.u32;
	s4 =	rddreg [dreg:$0x2];
	s9 =	simm.s32 $0x1  }
0x4: {  	s28 =	simm.s32 $0x2;
	s30 =	simm.s32 $0x100;
	s31 =	simm.s32 $0x900  }
0x5: {  	s10 =	simm.s32 $0x2100;
	s11 =	simm.s32 $0x2900;
	s12 =	simm.s32 $0x3100  }
0x6: {  	s13 =	simm.s32 $0x3900;
	s14 =	simm.s32 $0x4100;
	s15 =	simm.s32 $0x4900  }
0x7: {  	s16 =	simm.s32 $0x5100;
	s17 =	simm.s32 $0x5900;
	s18 =	simm.s32 $0x6100  }
0x8: {  	s19 =	simm.s32 $0x6900;
	s2 =	sand.u32 $0x1, s2;
	s5 =	sshll.u32 s3, $0x1  }
0x9: {  	s20 =	simm.s32 $0x7100;
	s21 =	simm.s32 $0x7900;
	s5 =	sor.u32 s2, s5  }
0xa: {  	s22 =	simm.s32 $0x8100;
	s3 =	simm.s32 $0x0;
	s6 =	smul.u32 $0x14, s5  }
0xb: {  	s4 =	sadd.s32 $0x409400, s4;
	s2 =	ssub.s32 $0x2, s2;
	s7 =	smul.u32 $0x28000, s5  }
0xc: {  	[smem:$0x7FF] =	sst s3;
	s8 =	sshrl.u32 s2, $0x1;
	s5 =	smul.u32 $0x5000, s5  }
0xd: {  	_ =	strace $0x8000004D;
	s2 =	ssub.s32 s2, s8;
	s8 =	simm.s32 $0x3  }
0xe: {  	s0 =	sadd.s32 s0, s6;
	s23 =	sshrl.u32 s7, $0x3;
	s24 =	sadd.s32 s4, s5  }
0xf: {  	s5 =	sadd.s32 $0x200, s1;
	s6 =	sadd.s32 $0x300, s1;
	[dreg:$0x4] =	wrdreg s0  }
0x10: {  	s7 =	sadd.s32 s4, s23;
	s4 =	sadd.s32 $0x100, s1;
	[dreg:$0x5] =	wrdreg s24  }
0x11: {  	s23 =	simm.s32 $0x8900;
	s24 =	simm.s32 $0x9100;
	s25 =	sadd.s32 $0x1400, s7  }
0x12: {  	v2 =	vlaneseq.u32;
	s26 =	sadd.s32 $0x2800, s7;
	s29 =	sadd.s32 $0x3C00, s7;
	[dreg:$0x6] =	wrdreg s25  }
0x13: {  	vm0 =	vmmov $0xffff;
	v1 =	vshrl.u32 v2, $0x3;
	s7 =	smax.u32 s2, $0x1;
	s2 =	simm.s32 $0x1100;
	[dreg:$0x7] =	wrdreg s26  }
0x14: {  	v0 =	vand.u32 $0x7, v2;
	v2 =	vor.u32 $0x8, v2;
	v1 =	vmul.u32 $0x8, v1;
	[dreg:$0x8] =	wrdreg s29;
	s25 =	simm.s32 $0x9900;
	s26 =	simm.s32 $0xA100  }
.LBB2_1:
0x15: {  	s29 =	rddreg [dreg:$0x4]  }
0x16: {  	[tilespmem:s3], [sflag:$0x3] =	stream.linear.gather [hbm4b:s29+s3], $0xA0, $0x38;
	[tilespmem:$0x14100] =	vst v63  }
0x17: {  	_ =	swait.ge [sflag:s8], $0xA0  }
0x18: {  	[sflag:s8] =	ssyncset.done $0x0  }
0x19: {  	[sflag:s8] =	ssyncadd.s32 $0xFFFFFF60  }
0x1a: {  	v3 =	vld [tilespmem:$0x0];
	_ =	sdelay $0x4  }
0x1b: {  	v4 =	vshll.u32 v3, $0x3  }
0x1c: {  	v3 =	vand.u32 $0x7, v3;
	v4 =	vand.u32 $0xFFFFFFC0, v4  }
0x1d: {  	v3 =	vor.u32 v3, v4  }
0x1e: {  	v4 =	vperm.xlane v3, v0;
	_ =	sdelay $0x1  }
0x1f: {  	v4 =	vadd.s32 v1, v4;
	_ =	sdelay $0x4  }
0x20: {  	[tilespmem:s30], [sflag:$0x1] =	stream.indirect_vreg.gather [hbm4b:s1+s3], $0x80, v4, vm0, $0xb8;
	[tilespmem:$0x14100] =	vst v63  }
0x21: {  	v3 =	vperm.xlane v3, v2  }
0x22: {  	[tilespmem:s31], [sflag:$0x1] =	stream.indirect_vreg.gather [hbm4b:s4+s3], $0x80, v4, vm0, $0xb8;
	[tilespmem:$0x14100] =	vst v63  }
0x23: {  	v3 =	vadd.s32 v1, v3  }
0x24: {  	[tilespmem:s2], [sflag:$0x1] =	stream.indirect_vreg.gather [hbm4b:s5+s3], $0x80, v4, vm0, $0xb8;
	[tilespmem:$0x14100] =	vst v63  }
0x25: {  	s0 =	simm.s32 $0x1900  }
0x26: {  	[tilespmem:s0], [sflag:$0x1] =	stream.indirect_vreg.gather [hbm4b:s6+s3], $0x80, v4, vm0, $0xb8;
	[tilespmem:$0x14100] =	vst v63  }
0x27: {  	_ = 	snop  }
0x28: {  	[tilespmem:s10], [sflag:$0x1] =	stream.indirect_vreg.gather [hbm4b:s1+s3], $0x80, v3, vm0, $0xb8;
	[tilespmem:$0x14100] =	vst v63  }
0x29: {  	_ = 	snop  }
0x2a: {  	[tilespmem:s11], [sflag:$0x1] =	stream.indirect_vreg.gather [hbm4b:s4+s3], $0x80, v3, vm0, $0xb8;
	[tilespmem:$0x14100] =	vst v63  }
0x2b: {  	_ = 	snop  }
0x2c: {  	[tilespmem:s12], [sflag:$0x1] =	stream.indirect_vreg.gather [hbm4b:s5+s3], $0x80, v3, vm0, $0xb8;
	[tilespmem:$0x14100] =	vst v63  }
0x2d: {  	_ = 	snop  }
0x2e: {  	[tilespmem:s13], [sflag:$0x1] =	stream.indirect_vreg.gather [hbm4b:s6+s3], $0x80, v3, vm0, $0xb8;
	[tilespmem:$0x14100] =	vst v63  }
0x2f: {  	v3 =	vld [tilespmem:$0x10];
	_ =	sdelay $0x4  }
0x30: {  	v53 =	vshll.u32 v3, $0x3  }
0x31: {  	v3 =	vand.u32 $0x7, v3;
	v4 =	vand.u32 $0xFFFFFFC0, v53  }
0x32: {  	v3 =	vor.u32 v3, v4  }
0x33: {  	v4 =	vperm.xlane v3, v0;
	_ =	sdelay $0x1  }
0x34: {  	v4 =	vadd.s32 v1, v4;
	_ =	sdelay $0x4  }
0x35: {  	[tilespmem:s14], [sflag:$0x1] =	stream.indirect_vreg.gather [hbm4b:s1+s3], $0x80, v4, vm0, $0xb8;
	[tilespmem:$0x14100] =	vst v63  }
0x36: {  	v3 =	vperm.xlane v3, v2  }
0x37: {  	[tilespmem:s15], [sflag:$0x1] =	stream.indirect_vreg.gather [hbm4b:s4+s3], $0x80, v4, vm0, $0xb8;
	[tilespmem:$0x14100] =	vst v63  }
0x38: {  	v3 =	vadd.s32 v1, v3  }
0x39: {  	[tilespmem:s16], [sflag:$0x1] =	stream.indirect_vreg.gather [hbm4b:s5+s3], $0x80, v4, vm0, $0xb8;
	[tilespmem:$0x14100] =	vst v63  }
0x3a: {  	_ = 	snop  }
0x3b: {  	[tilespmem:s17], [sflag:$0x1] =	stream.indirect_vreg.gather [hbm4b:s6+s3], $0x80, v4, vm0, $0xb8;
	[tilespmem:$0x14100] =	vst v63  }
0x3c: {  	_ = 	snop  }
0x3d: {  	[tilespmem:s18], [sflag:$0x1] =	stream.indirect_vreg.gather [hbm4b:s1+s3], $0x80, v3, vm0, $0xb8;
	[tilespmem:$0x14100] =	vst v63  }
0x3e: {  	_ = 	snop  }
0x3f: {  	[tilespmem:s19], [sflag:$0x1] =	stream.indirect_vreg.gather [hbm4b:s4+s3], $0x80, v3, vm0, $0xb8;
	[tilespmem:$0x14100] =	vst v63  }
0x40: {  	_ = 	snop  }
0x41: {  	[tilespmem:s20], [sflag:$0x1] =	stream.indirect_vreg.gather [hbm4b:s5+s3], $0x80, v3, vm0, $0xb8;
	[tilespmem:$0x14100] =	vst v63  }
0x42: {  	_ = 	snop  }
0x43: {  	[tilespmem:s21], [sflag:$0x1] =	stream.indirect_vreg.gather [hbm4b:s6+s3], $0x80, v3, vm0, $0xb8;
	[tilespmem:$0x14100] =	vst v63  }
0x44: {  	v3 =	vld.msk [tilespmem:$0x20], $0xff;
	_ =	sdelay $0x4  }
0x45: {  	v54 =	vshll.u32 v3, $0x3  }
0x46: {  	v3 =	vand.u32 $0x7, v3;
	v4 =	vand.u32 $0xFFFFFFC0, v54  }
0x47: {  	v3 =	vor.u32 v3, v4  }
0x48: {  	v3 =	vperm.xlane v3, v0;
	_ =	sdelay $0x1  }
0x49: {  	v3 =	vadd.s32 v1, v3;
	_ =	sdelay $0x4  }
0x4a: {  	[tilespmem:s22], [sflag:$0x1] =	stream.indirect_vreg.gather [hbm4b:s1+s3], $0x80, v3, vm0, $0xb8;
	[tilespmem:$0x14100] =	vst v63  }
0x4b: {  	_ = 	snop  }
0x4c: {  	[tilespmem:s23], [sflag:$0x1] =	stream.indirect_vreg.gather [hbm4b:s4+s3], $0x80, v3, vm0, $0xb8;
	[tilespmem:$0x14100] =	vst v63  }
0x4d: {  	_ = 	snop  }
0x4e: {  	[tilespmem:s24], [sflag:$0x1] =	stream.indirect_vreg.gather [hbm4b:s5+s3], $0x80, v3, vm0, $0xb8;
	[tilespmem:$0x14100] =	vst v63  }
0x4f: {  	_ = 	snop  }
0x50: {  	[tilespmem:s25], [sflag:$0x1] =	stream.indirect_vreg.gather [hbm4b:s6+s3], $0x80, v3, vm0, $0xb8;
	[tilespmem:$0x14100] =	vst v63  }
0x51: {  	v3 =	vld [tilespmem:$0x28];
	_ =	sdelay $0x4  }
0x52: {  	v55 =	vshll.u32 v3, $0x3  }
0x53: {  	v3 =	vand.u32 $0x7, v3;
	v4 =	vand.u32 $0xFFFFFFC0, v55  }
0x54: {  	v3 =	vor.u32 v3, v4  }
0x55: {  	v4 =	vperm.xlane v3, v0;
	_ =	sdelay $0x1  }
0x56: {  	v4 =	vadd.s32 v1, v4;
	_ =	sdelay $0x4  }
0x57: {  	[tilespmem:s26], [sflag:$0x2] =	stream.indirect_vreg.gather [hbm4b:s1+s3], $0x80, v4, vm0, $0xb8;
	[tilespmem:$0x14100] =	vst v63  }
0x58: {  	s29 =	simm.s32 $0xA900;
	v3 =	vperm.xlane v3, v2  }
0x59: {  	[tilespmem:s29], [sflag:$0x2] =	stream.indirect_vreg.gather [hbm4b:s4+s3], $0x80, v4, vm0, $0xb8;
	[tilespmem:$0x14100] =	vst v63  }
0x5a: {  	v3 =	vadd.s32 v1, v3;
	s29 =	simm.s32 $0xB100  }
0x5b: {  	[tilespmem:s29], [sflag:$0x2] =	stream.indirect_vreg.gather [hbm4b:s5+s3], $0x80, v4, vm0, $0xb8;
	[tilespmem:$0x14100] =	vst v63  }
0x5c: {  	s29 =	simm.s32 $0xB900  }
0x5d: {  	[tilespmem:s29], [sflag:$0x2] =	stream.indirect_vreg.gather [hbm4b:s6+s3], $0x80, v4, vm0, $0xb8;
	[tilespmem:$0x14100] =	vst v63  }
0x5e: {  	s29 =	simm.s32 $0xC100  }
0x5f: {  	[tilespmem:s29], [sflag:$0x2] =	stream.indirect_vreg.gather [hbm4b:s1+s3], $0x80, v3, vm0, $0xb8;
	[tilespmem:$0x14100] =	vst v63  }
0x60: {  	s29 =	simm.s32 $0xC900  }
0x61: {  	[tilespmem:s29], [sflag:$0x2] =	stream.indirect_vreg.gather [hbm4b:s4+s3], $0x80, v3, vm0, $0xb8;
	[tilespmem:$0x14100] =	vst v63  }
0x62: {  	s29 =	simm.s32 $0xD100  }
0x63: {  	[tilespmem:s29], [sflag:$0x2] =	stream.indirect_vreg.gather [hbm4b:s5+s3], $0x80, v3, vm0, $0xb8;
	[tilespmem:$0x14100] =	vst v63  }
0x64: {  	s29 =	simm.s32 $0xD900  }
0x65: {  	[tilespmem:s29], [sflag:$0x2] =	stream.indirect_vreg.gather [hbm4b:s6+s3], $0x80, v3, vm0, $0xb8;
	[tilespmem:$0x14100] =	vst v63  }
0x66: {  	v3 =	vld [tilespmem:$0x38];
	_ =	sdelay $0x4  }
0x67: {  	v56 =	vshll.u32 v3, $0x3  }
0x68: {  	v3 =	vand.u32 $0x7, v3;
	v4 =	vand.u32 $0xFFFFFFC0, v56  }
0x69: {  	v3 =	vor.u32 v3, v4  }
0x6a: {  	v4 =	vperm.xlane v3, v0;
	_ =	sdelay $0x1  }
0x6b: {  	v4 =	vadd.s32 v1, v4;
	_ =	sdelay $0x3  }
0x6c: {  	s29 =	simm.s32 $0xE100  }
0x6d: {  	[tilespmem:s29], [sflag:$0x2] =	stream.indirect_vreg.gather [hbm4b:s1+s3], $0x80, v4, vm0, $0xb8;
	[tilespmem:$0x14100] =	vst v63  }
0x6e: {  	v3 =	vperm.xlane v3, v2;
	s29 =	simm.s32 $0xE900  }
0x6f: {  	[tilespmem:s29], [sflag:$0x2] =	stream.indirect_vreg.gather [hbm4b:s4+s3], $0x80, v4, vm0, $0xb8;
	[tilespmem:$0x14100] =	vst v63  }
0x70: {  	v3 =	vadd.s32 v1, v3;
	s29 =	simm.s32 $0xF100  }
0x71: {  	[tilespmem:s29], [sflag:$0x2] =	stream.indirect_vreg.gather [hbm4b:s5+s3], $0x80, v4, vm0, $0xb8;
	[tilespmem:$0x14100] =	vst v63  }
0x72: {  	s29 =	simm.s32 $0xF900  }
0x73: {  	[tilespmem:s29], [sflag:$0x2] =	stream.indirect_vreg.gather [hbm4b:s6+s3], $0x80, v4, vm0, $0xb8;
	[tilespmem:$0x14100] =	vst v63  }
0x74: {  	s29 =	simm.s32 $0x10100  }
0x75: {  	[tilespmem:s29], [sflag:$0x2] =	stream.indirect_vreg.gather [hbm4b:s1+s3], $0x80, v3, vm0, $0xb8;
	[tilespmem:$0x14100] =	vst v63  }
0x76: {  	s29 =	simm.s32 $0x10900  }
0x77: {  	[tilespmem:s29], [sflag:$0x2] =	stream.indirect_vreg.gather [hbm4b:s4+s3], $0x80, v3, vm0, $0xb8;
	[tilespmem:$0x14100] =	vst v63  }
0x78: {  	s29 =	simm.s32 $0x11100  }
0x79: {  	[tilespmem:s29], [sflag:$0x2] =	stream.indirect_vreg.gather [hbm4b:s5+s3], $0x80, v3, vm0, $0xb8;
	[tilespmem:$0x14100] =	vst v63  }
0x7a: {  	s29 =	simm.s32 $0x11900  }
0x7b: {  	[tilespmem:s29], [sflag:$0x2] =	stream.indirect_vreg.gather [hbm4b:s6+s3], $0x80, v3, vm0, $0xb8;
	[tilespmem:$0x14100] =	vst v63  }
0x7c: {  	v3 =	vld.msk [tilespmem:$0x48], $0xff;
	_ =	sdelay $0x4  }
0x7d: {  	v57 =	vshll.u32 v3, $0x3  }
0x7e: {  	v3 =	vand.u32 $0x7, v3;
	v4 =	vand.u32 $0xFFFFFFC0, v57  }
0x7f: {  	v3 =	vor.u32 v3, v4  }
0x80: {  	v3 =	vperm.xlane v3, v0;
	_ =	sdelay $0x1  }
0x81: {  	v3 =	vadd.s32 v1, v3;
	_ =	sdelay $0x3  }
0x82: {  	s29 =	simm.s32 $0x12100  }
0x83: {  	[tilespmem:s29], [sflag:$0x2] =	stream.indirect_vreg.gather [hbm4b:s1+s3], $0x80, v3, vm0, $0xb8;
	[tilespmem:$0x14100] =	vst v63  }
0x84: {  	s29 =	simm.s32 $0x12900  }
0x85: {  	[tilespmem:s29], [sflag:$0x2] =	stream.indirect_vreg.gather [hbm4b:s4+s3], $0x80, v3, vm0, $0xb8;
	[tilespmem:$0x14100] =	vst v63  }
0x86: {  	s29 =	simm.s32 $0x13100  }
0x87: {  	[tilespmem:s29], [sflag:$0x2] =	stream.indirect_vreg.gather [hbm4b:s5+s3], $0x80, v3, vm0, $0xb8;
	[tilespmem:$0x14100] =	vst v63  }
0x88: {  	s29 =	simm.s32 $0x13900  }
0x89: {  	[tilespmem:s29], [sflag:$0x2] =	stream.indirect_vreg.gather [hbm4b:s6+s3], $0x80, v3, vm0, $0xb8;
	[tilespmem:$0x14100] =	vst v63  }
0x8a: {  	_ =	swait.ge [sflag:s9], $0xA000  }
0x8b: {  	[sflag:s9] =	ssyncset.done $0x0  }
0x8c: {  	s29 =	rddreg [dreg:$0x5];
	[sflag:s9] =	ssyncadd.s32 $0xFFFF6000  }
0x8d: {  	[hbm4b:s29+s3] =	stream.linear.scatter [tilespmem:s30], [sflag:$0x3], $0xA000, $0x38;
	[tilespmem:$0x14100] =	vst v63  }
0x8e: {  	_ =	swait.ge [sflag:s8], $0xA000  }
0x8f: {  	[sflag:s8] =	ssyncset.done $0x0  }
0x90: {  	[sflag:s8] =	ssyncadd.s32 $0xFFFF6000  }
0x91: {  	v3 =	vld [tilespmem:$0x50];
	_ =	sdelay $0x4  }
0x92: {  	v58 =	vshll.u32 v3, $0x3  }
0x93: {  	v3 =	vand.u32 $0x7, v3;
	v4 =	vand.u32 $0xFFFFFFC0, v58  }
0x94: {  	v3 =	vor.u32 v3, v4  }
0x95: {  	v4 =	vperm.xlane v3, v0;
	_ =	sdelay $0x1  }
0x96: {  	v4 =	vadd.s32 v1, v4;
	_ =	sdelay $0x4  }
0x97: {  	[tilespmem:s30], [sflag:$0x1] =	stream.indirect_vreg.gather [hbm4b:s1+s3], $0x80, v4, vm0, $0xb8;
	[tilespmem:$0x14100] =	vst v63  }
0x98: {  	v3 =	vperm.xlane v3, v2  }
0x99: {  	[tilespmem:s31], [sflag:$0x1] =	stream.indirect_vreg.gather [hbm4b:s4+s3], $0x80, v4, vm0, $0xb8;
	[tilespmem:$0x14100] =	vst v63  }
0x9a: {  	v3 =	vadd.s32 v1, v3  }
0x9b: {  	[tilespmem:s2], [sflag:$0x1] =	stream.indirect_vreg.gather [hbm4b:s5+s3], $0x80, v4, vm0, $0xb8;
	[tilespmem:$0x14100] =	vst v63  }
0x9c: {  	_ = 	snop  }
0x9d: {  	[tilespmem:s0], [sflag:$0x1] =	stream.indirect_vreg.gather [hbm4b:s6+s3], $0x80, v4, vm0, $0xb8;
	[tilespmem:$0x14100] =	vst v63  }
0x9e: {  	_ = 	snop  }
0x9f: {  	[tilespmem:s10], [sflag:$0x1] =	stream.indirect_vreg.gather [hbm4b:s1+s3], $0x80, v3, vm0, $0xb8;
	[tilespmem:$0x14100] =	vst v63  }
0xa0: {  	_ = 	snop  }
0xa1: {  	[tilespmem:s11], [sflag:$0x1] =	stream.indirect_vreg.gather [hbm4b:s4+s3], $0x80, v3, vm0, $0xb8;
	[tilespmem:$0x14100] =	vst v63  }
0xa2: {  	_ = 	snop  }
0xa3: {  	[tilespmem:s12], [sflag:$0x1] =	stream.indirect_vreg.gather [hbm4b:s5+s3], $0x80, v3, vm0, $0xb8;
	[tilespmem:$0x14100] =	vst v63  }
0xa4: {  	_ = 	snop  }
0xa5: {  	[tilespmem:s13], [sflag:$0x1] =	stream.indirect_vreg.gather [hbm4b:s6+s3], $0x80, v3, vm0, $0xb8;
	[tilespmem:$0x14100] =	vst v63  }
0xa6: {  	v3 =	vld [tilespmem:$0x60];
	_ =	sdelay $0x4  }
0xa7: {  	v59 =	vshll.u32 v3, $0x3  }
0xa8: {  	v3 =	vand.u32 $0x7, v3;
	v4 =	vand.u32 $0xFFFFFFC0, v59  }
0xa9: {  	v3 =	vor.u32 v3, v4  }
0xaa: {  	v4 =	vperm.xlane v3, v0;
	_ =	sdelay $0x1  }
0xab: {  	v4 =	vadd.s32 v1, v4;
	_ =	sdelay $0x4  }
0xac: {  	[tilespmem:s14], [sflag:$0x1] =	stream.indirect_vreg.gather [hbm4b:s1+s3], $0x80, v4, vm0, $0xb8;
	[tilespmem:$0x14100] =	vst v63  }
0xad: {  	v3 =	vperm.xlane v3, v2  }
0xae: {  	[tilespmem:s15], [sflag:$0x1] =	stream.indirect_vreg.gather [hbm4b:s4+s3], $0x80, v4, vm0, $0xb8;
	[tilespmem:$0x14100] =	vst v63  }
0xaf: {  	v3 =	vadd.s32 v1, v3  }
0xb0: {  	[tilespmem:s16], [sflag:$0x1] =	stream.indirect_vreg.gather [hbm4b:s5+s3], $0x80, v4, vm0, $0xb8;
	[tilespmem:$0x14100] =	vst v63  }
0xb1: {  	_ = 	snop  }
0xb2: {  	[tilespmem:s17], [sflag:$0x1] =	stream.indirect_vreg.gather [hbm4b:s6+s3], $0x80, v4, vm0, $0xb8;
	[tilespmem:$0x14100] =	vst v63  }
0xb3: {  	_ = 	snop  }
0xb4: {  	[tilespmem:s18], [sflag:$0x1] =	stream.indirect_vreg.gather [hbm4b:s1+s3], $0x80, v3, vm0, $0xb8;
	[tilespmem:$0x14100] =	vst v63  }
0xb5: {  	_ = 	snop  }
0xb6: {  	[tilespmem:s19], [sflag:$0x1] =	stream.indirect_vreg.gather [hbm4b:s4+s3], $0x80, v3, vm0, $0xb8;
	[tilespmem:$0x14100] =	vst v63  }
0xb7: {  	_ = 	snop  }
0xb8: {  	[tilespmem:s20], [sflag:$0x1] =	stream.indirect_vreg.gather [hbm4b:s5+s3], $0x80, v3, vm0, $0xb8;
	[tilespmem:$0x14100] =	vst v63  }
0xb9: {  	_ = 	snop  }
0xba: {  	[tilespmem:s21], [sflag:$0x1] =	stream.indirect_vreg.gather [hbm4b:s6+s3], $0x80, v3, vm0, $0xb8;
	[tilespmem:$0x14100] =	vst v63  }
0xbb: {  	v3 =	vld.msk [tilespmem:$0x70], $0xff;
	_ =	sdelay $0x4  }
0xbc: {  	v60 =	vshll.u32 v3, $0x3  }
0xbd: {  	v3 =	vand.u32 $0x7, v3;
	v4 =	vand.u32 $0xFFFFFFC0, v60  }
0xbe: {  	v3 =	vor.u32 v3, v4  }
0xbf: {  	v3 =	vperm.xlane v3, v0;
	_ =	sdelay $0x1  }
0xc0: {  	v3 =	vadd.s32 v1, v3;
	_ =	sdelay $0x4  }
0xc1: {  	[tilespmem:s22], [sflag:$0x1] =	stream.indirect_vreg.gather [hbm4b:s1+s3], $0x80, v3, vm0, $0xb8;
	[tilespmem:$0x14100] =	vst v63  }
0xc2: {  	_ = 	snop  }
0xc3: {  	[tilespmem:s23], [sflag:$0x1] =	stream.indirect_vreg.gather [hbm4b:s4+s3], $0x80, v3, vm0, $0xb8;
	[tilespmem:$0x14100] =	vst v63  }
0xc4: {  	_ = 	snop  }
0xc5: {  	[tilespmem:s24], [sflag:$0x1] =	stream.indirect_vreg.gather [hbm4b:s5+s3], $0x80, v3, vm0, $0xb8;
	[tilespmem:$0x14100] =	vst v63  }
0xc6: {  	_ = 	snop  }
0xc7: {  	[tilespmem:s25], [sflag:$0x1] =	stream.indirect_vreg.gather [hbm4b:s6+s3], $0x80, v3, vm0, $0xb8;
	[tilespmem:$0x14100] =	vst v63  }
0xc8: {  	_ =	swait.ge [sflag:s28], $0xA000  }
0xc9: {  	[sflag:s28] =	ssyncset.done $0x0  }
0xca: {  	s0 =	rddreg [dreg:$0x6];
	[sflag:s28] =	ssyncadd.s32 $0xFFFF6000  }
0xcb: {  	[hbm4b:s0+s3] =	stream.linear.scatter [tilespmem:s26], [sflag:$0x3], $0xA000, $0x38;
	[tilespmem:$0x14100] =	vst v63  }
0xcc: {  	_ =	swait.ge [sflag:s8], $0xA000  }
0xcd: {  	[sflag:s8] =	ssyncset.done $0x0  }
0xce: {  	[sflag:s8] =	ssyncadd.s32 $0xFFFF6000  }
0xcf: {  	v3 =	vld [tilespmem:$0x78];
	_ =	sdelay $0x4  }
0xd0: {  	v61 =	vshll.u32 v3, $0x3  }
0xd1: {  	v3 =	vand.u32 $0x7, v3;
	v4 =	vand.u32 $0xFFFFFFC0, v61  }
0xd2: {  	v3 =	vor.u32 v3, v4  }
0xd3: {  	v4 =	vperm.xlane v3, v0;
	_ =	sdelay $0x1  }
0xd4: {  	v4 =	vadd.s32 v1, v4;
	_ =	sdelay $0x4  }
0xd5: {  	[tilespmem:s26], [sflag:$0x2] =	stream.indirect_vreg.gather [hbm4b:s1+s3], $0x80, v4, vm0, $0xb8;
	[tilespmem:$0x14100] =	vst v63  }
0xd6: {  	s29 =	simm.s32 $0xA900;
	v3 =	vperm.xlane v3, v2  }
0xd7: {  	[tilespmem:s29], [sflag:$0x2] =	stream.indirect_vreg.gather [hbm4b:s4+s3], $0x80, v4, vm0, $0xb8;
	[tilespmem:$0x14100] =	vst v63  }
0xd8: {  	v3 =	vadd.s32 v1, v3;
	s29 =	simm.s32 $0xB100  }
0xd9: {  	[tilespmem:s29], [sflag:$0x2] =	stream.indirect_vreg.gather [hbm4b:s5+s3], $0x80, v4, vm0, $0xb8;
	[tilespmem:$0x14100] =	vst v63  }
0xda: {  	s29 =	simm.s32 $0xB900  }
0xdb: {  	[tilespmem:s29], [sflag:$0x2] =	stream.indirect_vreg.gather [hbm4b:s6+s3], $0x80, v4, vm0, $0xb8;
	[tilespmem:$0x14100] =	vst v63  }
0xdc: {  	s29 =	simm.s32 $0xC100  }
0xdd: {  	[tilespmem:s29], [sflag:$0x2] =	stream.indirect_vreg.gather [hbm4b:s1+s3], $0x80, v3, vm0, $0xb8;
	[tilespmem:$0x14100] =	vst v63  }
0xde: {  	s29 =	simm.s32 $0xC900  }
0xdf: {  	[tilespmem:s29], [sflag:$0x2] =	stream.indirect_vreg.gather [hbm4b:s4+s3], $0x80, v3, vm0, $0xb8;
	[tilespmem:$0x14100] =	vst v63  }
0xe0: {  	s29 =	simm.s32 $0xD100  }
0xe1: {  	[tilespmem:s29], [sflag:$0x2] =	stream.indirect_vreg.gather [hbm4b:s5+s3], $0x80, v3, vm0, $0xb8;
	[tilespmem:$0x14100] =	vst v63  }
0xe2: {  	s29 =	simm.s32 $0xD900  }
0xe3: {  	[tilespmem:s29], [sflag:$0x2] =	stream.indirect_vreg.gather [hbm4b:s6+s3], $0x80, v3, vm0, $0xb8;
	[tilespmem:$0x14100] =	vst v63  }
0xe4: {  	v3 =	vld [tilespmem:$0x88];
	_ =	sdelay $0x4  }
0xe5: {  	v62 =	vshll.u32 v3, $0x3  }
0xe6: {  	v3 =	vand.u32 $0x7, v3;
	v4 =	vand.u32 $0xFFFFFFC0, v62  }
0xe7: {  	v3 =	vor.u32 v3, v4  }
0xe8: {  	v4 =	vperm.xlane v3, v0;
	_ =	sdelay $0x1  }
0xe9: {  	v4 =	vadd.s32 v1, v4;
	_ =	sdelay $0x3  }
0xea: {  	s29 =	simm.s32 $0xE100  }
0xeb: {  	[tilespmem:s29], [sflag:$0x2] =	stream.indirect_vreg.gather [hbm4b:s1+s3], $0x80, v4, vm0, $0xb8;
	[tilespmem:$0x14100] =	vst v63  }
0xec: {  	v3 =	vperm.xlane v3, v2;
	s29 =	simm.s32 $0xE900  }
0xed: {  	[tilespmem:s29], [sflag:$0x2] =	stream.indirect_vreg.gather [hbm4b:s4+s3], $0x80, v4, vm0, $0xb8;
	[tilespmem:$0x14100] =	vst v63  }
0xee: {  	v3 =	vadd.s32 v1, v3;
	s29 =	simm.s32 $0xF100  }
0xef: {  	[tilespmem:s29], [sflag:$0x2] =	stream.indirect_vreg.gather [hbm4b:s5+s3], $0x80, v4, vm0, $0xb8;
	[tilespmem:$0x14100] =	vst v63  }
0xf0: {  	s29 =	simm.s32 $0xF900  }
0xf1: {  	[tilespmem:s29], [sflag:$0x2] =	stream.indirect_vreg.gather [hbm4b:s6+s3], $0x80, v4, vm0, $0xb8;
	[tilespmem:$0x14100] =	vst v63  }
0xf2: {  	s29 =	simm.s32 $0x10100  }
0xf3: {  	[tilespmem:s29], [sflag:$0x2] =	stream.indirect_vreg.gather [hbm4b:s1+s3], $0x80, v3, vm0, $0xb8;
	[tilespmem:$0x14100] =	vst v63  }
0xf4: {  	s29 =	simm.s32 $0x10900  }
0xf5: {  	[tilespmem:s29], [sflag:$0x2] =	stream.indirect_vreg.gather [hbm4b:s4+s3], $0x80, v3, vm0, $0xb8;
	[tilespmem:$0x14100] =	vst v63  }
0xf6: {  	s29 =	simm.s32 $0x11100  }
0xf7: {  	[tilespmem:s29], [sflag:$0x2] =	stream.indirect_vreg.gather [hbm4b:s5+s3], $0x80, v3, vm0, $0xb8;
	[tilespmem:$0x14100] =	vst v63  }
0xf8: {  	s29 =	simm.s32 $0x11900  }
0xf9: {  	[tilespmem:s29], [sflag:$0x2] =	stream.indirect_vreg.gather [hbm4b:s6+s3], $0x80, v3, vm0, $0xb8;
	[tilespmem:$0x14100] =	vst v63  }
0xfa: {  	v3 =	vld.msk [tilespmem:$0x98], $0xff;
	_ =	sdelay $0x4  }
0xfb: {  	v63 =	vshll.u32 v3, $0x3  }
0xfc: {  	v3 =	vand.u32 $0x7, v3;
	v4 =	vand.u32 $0xFFFFFFC0, v63  }
0xfd: {  	v3 =	vor.u32 v3, v4  }
0xfe: {  	v3 =	vperm.xlane v3, v0;
	_ =	sdelay $0x1  }
0xff: {  	v3 =	vadd.s32 v1, v3;
	_ =	sdelay $0x3  }
0x100: {  	s29 =	simm.s32 $0x12100  }
0x101: {  	[tilespmem:s29], [sflag:$0x2] =	stream.indirect_vreg.gather [hbm4b:s1+s3], $0x80, v3, vm0, $0xb8;
	[tilespmem:$0x14100] =	vst v63  }
0x102: {  	s29 =	simm.s32 $0x12900  }
0x103: {  	[tilespmem:s29], [sflag:$0x2] =	stream.indirect_vreg.gather [hbm4b:s4+s3], $0x80, v3, vm0, $0xb8;
	[tilespmem:$0x14100] =	vst v63  }
0x104: {  	s29 =	simm.s32 $0x13100  }
0x105: {  	[tilespmem:s29], [sflag:$0x2] =	stream.indirect_vreg.gather [hbm4b:s5+s3], $0x80, v3, vm0, $0xb8;
	[tilespmem:$0x14100] =	vst v63  }
0x106: {  	s29 =	simm.s32 $0x13900  }
0x107: {  	[tilespmem:s29], [sflag:$0x2] =	stream.indirect_vreg.gather [hbm4b:s6+s3], $0x80, v3, vm0, $0xb8;
	[tilespmem:$0x14100] =	vst v63  }
0x108: {  	_ =	swait.ge [sflag:s9], $0xA000  }
0x109: {  	[sflag:s9] =	ssyncset.done $0x0  }
0x10a: {  	s0 =	rddreg [dreg:$0x7];
	[sflag:s9] =	ssyncadd.s32 $0xFFFF6000  }
0x10b: {  	[hbm4b:s0+s3] =	stream.linear.scatter [tilespmem:s30], [sflag:$0x3], $0xA000, $0x38;
	[tilespmem:$0x14100] =	vst v63  }
0x10c: {  	_ =	swait.ge [sflag:s8], $0xA000  }
0x10d: {  	[sflag:s8] =	ssyncset.done $0x0  }
0x10e: {  	[sflag:s8] =	ssyncadd.s32 $0xFFFF6000  }
0x10f: {  	_ =	swait.ge [sflag:s28], $0xA000  }
0x110: {  	p0 =	sne.s32 s7, $0x1;
	[sflag:s28] =	ssyncset.done $0x0  }
.Ltmp0:
0x111: {  	s0 =	rddreg [dreg:$0x8];
	[sflag:s28] =	ssyncadd.s32 $0xFFFF6000;
	(pc) =	sbr.rel @p0 .LBB2_1-.Ltmp0, $4  }
0x112: {  	[hbm4b:s0+s3] =	stream.linear.scatter [tilespmem:s26], [sflag:$0x3], $0xA000, $0x38;
	[tilespmem:$0x14100] =	vst v63  }
0x113: {  	_ =	swait.ge [sflag:s8], $0xA000  }
0x114: {  	[sflag:s8] =	ssyncset.done $0x0  }
0x115: {  	s7 =	sadd.s32 $0xFFFFFFFF, s7;
	[sflag:s8] =	ssyncadd.s32 $0xFFFF6000  }
0x116: {  	_ =	sfence.sel $0x180000  }
0x117: {  	[bflag:$0x0] =	sbarrier.arrive $0xFFFF  }
0x118: {  	_ =	strace $0x9000004D  }
0x119: {  	s0 =	stileid.u32;
	[bflag:$0x2] =	sbarrier.arrive $0xFFFF  }
0x11a: {  	p0 =	sne.s32 s0, $0x0;
	s0 =	rddreg [dreg:$0x3]  }
0x11b: {  	s0 =	sadd.s32 @!p0 $0x100000, s0  }
0x11c: {  	[sflag:s0] =	ssyncadd.tile.s32 @!p0 $0x1;
	_ =	shalt  }
.Lfunc_end2:
_tile_overlayer_lowered:
.L_overlay_start_2:
0x11d: {  	(tag) =	ssettag $0x2  }
0x11e: {  	s0 =	rddreg [dreg:$0x0];
	s2 =	stileid.u32  }
0x11f: {  	s1 =	rddreg [dreg:$0x1];
	p0 =	sne.s32 s2, $0x0  }
0x120: {  	s3 =	rddreg [dreg:$0x2];
	[bflag:$0x3] =	sbarrier.arrive $0xFFFF;
	s2 =	simm.s32 @!p0 $0x1C03  }
0x121: {  	[timem:s3], [sflag:s2] =	dma.local @!p0 [hbm:s0], s1  }
0x122: {  	s0 =	simm.s32 @!p0 $0x3  }
0x123: {  	_ =	swait.ge @!p0 [sflag:s0], s1  }
0x124: {  	s1 =	ssub.s32 @!p0 $0x0, s1;
	[sflag:s0] =	ssyncset.done @!p0 $0x0  }
0x125: {  	[sflag:s0] =	ssyncadd.s32 @!p0 s1  }
0x126: {  	[bflag:$0x3] =	sbarrier.arrive $0xFFFF  }
0x127: {  	_ =	shalt  }

// kernel: kernel.9.cloned.1.call-start
scs
__scs_entry_jumppad:
0x0: {  	(pc) =	sbr.rel $0x88, $3  }
0x1: {  	(tag) =	ssettag $0x0;
	lr =	simm.s32 $0x1  }
0x2: {  	[smem:$0x3F9A] =	sst lr;
	_ =	strace $0xD0000000  }
0x3: {  	_ = 	snop  }
0x4: {  	_ = 	snop  }
0x5: {  	_ = 	snop  }
0x6: {  	_ = 	snop  }
0x7: {  	_ = 	snop  }
__scs_overlays_trampoline_lowered:
0x8: {  	[smem:$0x3FA9] =	sst s0  }
0x9: {  	[smem:$0x3FAA] =	sst s1  }
0xa: {  	[smem:$0x3FAB] =	sst s2  }
0xb: {  	[smem:$0x3FAC] =	sst s3  }
0xc: {  	[smem:$0x3FAD] =	sst s4  }
0xd: {  	[smem:$0x3FAE] =	sst s5  }
0xe: {  	[smem:$0x3FAF] =	sst s6  }
0xf: {  	[smem:$0x3FB0] =	sst s7  }
0x10: {  	[smem:$0x3FB1] =	sst s8  }
0x11: {  	[smem:$0x3FB2] =	sst s9;
	s0 =	simm.s32 @!p0 $0x0  }
0x12: {  	s1 =	sld [smem:$0x3F98];
	s0 =	simm.s32 @p0 $0x1  }
0x13: {  	[smem:$0x3FB3] =	sst s0;
	s0 =	simm.s32 @!p1 $0x0  }
0x14: {  	s2 =	sld [smem:$0x3F97];
	s0 =	simm.s32 @p1 $0x1  }
0x15: {  	[smem:$0x3FB4] =	sst s0;
	s0 =	simm.s32 @!p2 $0x0  }
0x16: {  	s3 =	sld [smem:$0x3FDB];
	s0 =	simm.s32 @p2 $0x1  }
0x17: {  	s4 =	simm.s32 $0x1BF5;
	[smem:$0x3FB6] =	sst s0  }
0x18: {  	s0 =	sld [smem:$0x3F99];
	_ =	swait.ge [sflag:s4], $0x0  }
0x19: {  	s7 =	sld [smem:$0x3F9A]  }
0x1a: {  	s8 =	sadd.s32 $0xFFFFE003, lr  }
0x1b: {  	s9 =	sadd.s32 $0xFFFFFEF7, lr;
	s5 =	simm.s32 $0xFFFFFFFF;
	p2 =	slt.u32 s8, $0xFFFFF086  }
0x1c: {  	p1 =	slt.u32 s9, $0xF7A;
	s5 =	simm.s32 @!p2 $0x0  }
0x1d: {  	s5 =	simm.s32 @p1 $0x1;
	p0 =	seq.s32 s7, s2  }
0x1e: {  	s7 =	smul.u32 @!p0 $0xF7A, s2;
	p2 =	seq.s32 @!p0 s5, $0x0  }
0x1f: {  	s9 =	smul.u32 $0xF7A, s1;
	s8 =	simm.s32 @!p0 $0x1BF5;
	p2 =	por !p2, p0  }
0x20: {  	[sflag:s8] =	ssyncset.s32 @!p0 $0xFFFFF086;
	s6 =	sadd.s32 @!p0 s3, s7;
	s7 =	simm.s32 @!p0 $0x108  }
0x21: {  	s3 =	sadd.s32 s3, s9;
	s6 =	sadd.s32 @!p0 $0x88, s6;
	s7 =	simm.s32 @p2 $0x1082  }
0x22: {  	[simem:s7], [sflag:s8] =	dma.local @!p0 [hbm:s6], $0xF7A  }
0x23: {  	s9 =	sor.u32 $0xD0000000, s2;
	s6 =	simm.s32 $0x108;
	_ =	swait.ge @!p0 [sflag:s8], $0x0  }
0x24: {  	s3 =	sadd.s32 $0x88, s3;
	s6 =	simm.s32 @!p1 $0x1082;
	[sflag:s4] =	ssyncset.s32 $0xFFFFF086  }
0x25: {  	[simem:s6], [sflag:s4] =	dma.local [hbm:s3], $0xF7A  }
0x26: {  	[smem:$0x3F9A] =	sst s1;
	(tag) =	ssettag s2;
	_ =	strace s9  }
0x27: {  	s1 =	sld [smem:$0x3FAA]  }
0x28: {  	s2 =	sld [smem:$0x3FAB]  }
0x29: {  	s4 =	sld [smem:$0x3FAD]  }
0x2a: {  	p0 =	seq.s32 s5, $0x0;
	s5 =	sld [smem:$0x3FAE]  }
0x2b: {  	s6 =	sld [smem:$0x3FAF]  }
0x2c: {  	s7 =	sld [smem:$0x3FB0]  }
0x2d: {  	s3 =	simm.s32 $0x108;
	s8 =	sld [smem:$0x3FB1]  }
0x2e: {  	s3 =	simm.s32 @!p0 $0x1082;
	s9 =	sld [smem:$0x3FB2]  }
0x2f: {  	lr =	sadd.s32 s0, s3;
	s0 =	sld [smem:$0x3FA9]  }
0x30: {  	s3 =	sld [smem:$0x3FAC]  }
0x31: {  	[smem:$0x3FB5] =	sst s10  }
0x32: {  	s10 =	sld [smem:$0x3FB3];
	_ =	sdelay $0x3  }
0x33: {  	p0 =	seq.s32 s10, $0x1;
	s10 =	sld [smem:$0x3FB5];
	_ =	sdelay $0x3  }
0x34: {  	[smem:$0x3FB5] =	sst s10  }
0x35: {  	s10 =	sld [smem:$0x3FB4];
	_ =	sdelay $0x3  }
0x36: {  	p1 =	seq.s32 s10, $0x1;
	s10 =	sld [smem:$0x3FB5];
	_ =	sdelay $0x3  }
0x37: {  	[smem:$0x3FB5] =	sst s10  }
0x38: {  	s10 =	sld [smem:$0x3FB6]  }
0x39: {  	_ = 	snop;
	(pc) =	sbr.ind lr, $3  }
0x3a: {  	_ = 	snop  }
0x3b: {  	_ = 	snop  }
0x3c: {  	p2 =	seq.s32 s10, $0x1;
	s10 =	sld [smem:$0x3FB5]  }
0x3d: {  	_ =	shalt  }
0x3e: {  	_ =	shalt  }
0x3f: {  	_ =	shalt  }
0x40: {  	_ =	shalt  }
0x41: {  	_ =	shalt  }
0x42: {  	_ =	shalt  }
0x43: {  	_ =	shalt  }
0x44: {  	_ =	shalt  }
0x45: {  	_ =	shalt  }
0x46: {  	_ =	shalt  }
0x47: {  	_ =	shalt  }
0x48: {  	_ =	shalt  }
0x49: {  	_ =	shalt  }
0x4a: {  	_ =	shalt  }
0x4b: {  	_ =	shalt  }
0x4c: {  	_ =	shalt  }
0x4d: {  	_ =	shalt  }
0x4e: {  	_ =	shalt  }
0x4f: {  	_ =	shalt  }
0x50: {  	_ =	shalt  }
0x51: {  	_ =	shalt  }
0x52: {  	_ =	shalt  }
0x53: {  	_ =	shalt  }
0x54: {  	_ =	shalt  }
0x55: {  	_ =	shalt  }
0x56: {  	_ =	shalt  }
0x57: {  	_ =	shalt  }
0x58: {  	_ =	shalt  }
0x59: {  	_ =	shalt  }
0x5a: {  	_ =	shalt  }
0x5b: {  	_ =	shalt  }
0x5c: {  	_ =	shalt  }
0x5d: {  	_ =	shalt  }
0x5e: {  	_ =	shalt  }
0x5f: {  	_ =	shalt  }
0x60: {  	_ =	shalt  }
0x61: {  	_ =	shalt  }
0x62: {  	_ =	shalt  }
0x63: {  	_ =	shalt  }
0x64: {  	_ =	shalt  }
0x65: {  	_ =	shalt  }
0x66: {  	_ =	shalt  }
0x67: {  	_ =	shalt  }
0x68: {  	_ =	shalt  }
0x69: {  	_ =	shalt  }
0x6a: {  	_ =	shalt  }
0x6b: {  	_ =	shalt  }
0x6c: {  	_ =	shalt  }
0x6d: {  	_ =	shalt  }
0x6e: {  	_ =	shalt  }
0x6f: {  	_ =	shalt  }
0x70: {  	_ =	shalt  }
0x71: {  	_ =	shalt  }
0x72: {  	_ =	shalt  }
0x73: {  	_ =	shalt  }
0x74: {  	_ =	shalt  }
0x75: {  	_ =	shalt  }
0x76: {  	_ =	shalt  }
0x77: {  	_ =	shalt  }
0x78: {  	_ =	shalt  }
0x79: {  	_ =	shalt  }
0x7a: {  	_ =	shalt  }
0x7b: {  	_ =	shalt  }
0x7c: {  	_ =	shalt  }
0x7d: {  	_ =	shalt  }
0x7e: {  	_ =	shalt  }
0x7f: {  	_ =	shalt  }
0x80: {  	_ =	shalt  }
0x81: {  	_ =	shalt  }
0x82: {  	_ =	shalt  }
0x83: {  	_ =	shalt  }
0x84: {  	_ =	shalt  }
0x85: {  	_ =	shalt  }
0x86: {  	_ =	shalt  }
0x87: {  	_ =	shalt  }
.Lfunc_end0:
.L_simem_size_0:
called_computation.3_lowered:
.L_overlay_start_0:
0x88: {  	s2 =	sld [smem:$0x3FD9]  }
0x89: {  	s3 =	sld [smem:$0x3FFE];
	_ =	sdelay $0x1  }
0x8a: {  	s1 =	srdreg.scid  }
0x8b: {  	s0 =	sand.u32 $0x1, s1  }
0x8c: {  	s16 =	sshll.u32 s0, $0xA;
	s2 =	sadd.s32 s3, s2  }
0x8d: {  	s2 =	sadd.s32 s2, s16  }
0x8e: {  	[smem:$0x3FC1] =	sst s2  }
0x8f: {  	_ = 	snop  }
0x90: {  	(tm) =	ssettm $0x1  }
0x91: {  	s17 =	sld [smem:$0x3FFB];
	_ =	sdelay $0x3  }
0x92: {  	_ =	strace s17  }
0x93: {  	s2 =	sld [smem:$0x3FFC];
	_ =	sdelay $0x3  }
0x94: {  	_ =	strace s2  }
0x95: {  	s2 =	sld [smem:$0x3FFD];
	_ =	sdelay $0x3  }
0x96: {  	_ =	strace s2  }
0x97: {  	_ =	strace $0x8FFFFFFF  }
0x98: {  	s18 =	sld [smem:$0x3FDB];
	_ =	sdelay $0x1  }
0x99: {  	s19 =	simm.s32 $_scs_section_size  }
0x9a: {  	s4 =	simm.s32 $_size__tile_overlayer_lowered;
	s5 =	simm.s32 $_tile_overlayer_lowered  }
0x9b: {  	s22 =	simm.s32 $0x1BFF;
	s21 =	sshll.u32 s5, $0x1;
	s2 =	sadd.s32 s19, s18  }
0x9c: {  	s6 =	simm.s32 $0x0;
	s20 =	sshll.u32 s4, $0x1;
	s4 =	sadd.s32 s21, s2  }
0x9d: {  	[timem:s6], [sflag:s22] =	dma.local [hbm:s4], s20  }
0x9e: {  	_ =	swait.ge [sflag:s22], s20  }
0x9f: {  	s3 =	ssub.s32 $0x0, s20;
	[sflag:s22] =	ssyncset.done $0x0  }
0xa0: {  	[sflag:s22] =	ssyncadd.s32 s3;
	_ =	sdelay $0x1  }
0xa1: {  	s23 =	simm.s32 $0x1B8B  }
0xa2: {  	_ =	swait.ge [sflag:s23], $0x1  }
0xa3: {  	[sflag:s23] =	ssyncset.done $0x0  }
0xa4: {  	s25 =	simm.s32 $0x1B8E;
	s24 =	sld [smem:$0x3FFE];
	[sflag:s23] =	ssyncadd.s32 $0xFFFFFFFF  }
0xa5: {  	s26 =	simm.s32 $execute0_lowered;
	[smem:$0x3FD2] =	sst s25  }
0xa6: {  	s4 =	sshll.u32 s26, $0x1;
	_ =	strace $0x8000004F;
	[dreg:$0x1] =	wrdreg $0xFFFFFFFF  }
0xa7: {  	s28 =	simm.s32 $_size_execute0_lowered;
	s2 =	sadd.s32 s2, s4;
	[dreg:$0x0] =	wrdreg $0x0  }
0xa8: {  	s4 =	sshll.u32 s28, $0x1;
	[dreg:$0x2] =	wrdreg s2  }
0xa9: {  	[dreg:$0x3] =	wrdreg s4  }
0xaa: {  	[dreg:$0x4] =	wrdreg $0xC0  }
0xab: {  	_ =	task [dreg:s6], $0x5FFFF  }
0xac: {  	[dreg:$0x1] =	wrdreg $0xFFFFFFFF  }
0xad: {  	[dreg:$0x0] =	wrdreg $0x60  }
0xae: {  	[dreg:$0x2] =	wrdreg s24  }
0xaf: {  	[dreg:$0x3] =	wrdreg $0x9  }
0xb0: {  	_ =	task.clear_ibuf [dreg:s6], $0x4FFFF;
	_ =	strace $0x9000004F  }
0xb1: {  	s29 =	simm.s32 $0x9;
	_ =	strace $0x80000051  }
0xb2: {  	_ =	swait.ge [sflag:s29], $0x1  }
0xb3: {  	[sflag:s29] =	ssyncadd.s32 $0xFFFFFFFF  }
0xb4: {  	_ =	strace $0x90000051  }
0xb5: {  	_ =	sfence  }
0xb6: {  	s30 =	sld [smem:$0x0];
	_ =	sdelay $0x2  }
0xb7: {  	s31 =	sshll.u32 s1, $0xD;
	s1 =	sshrl.u32 s1, $0x2  }
0xb8: {  	s3 =	sand.u32 $0x4000, s31;
	s1 =	sadd.s32 s1, s30  }
0xb9: {  	s0 =	sor.u32 s3, s0;
	s1 =	sshll.u32 s1, $0x11  }
0xba: {  	s0 =	sor.u32 s1, s0  }
0xbb: {  	s0 =	sadd.s32 $0x8F2B, s0  }
0xbc: {  	[sflag:s0] =	ssyncadd.remote.s32 $0x1  }
0xbd: {  	_ =	sfence.sel $0xFFFF  }
0xbe: {  	[dreg:$0x0] =	wrdreg $0xFFFFFFFF;
	(pc) =	sbr.abs _section_cstart, $3  }
0xbf: {  	[dreg:$0x1] =	wrdreg $0xFFFFFFFF  }
0xc0: {  	_ =	task.clear_ibuf [dreg:s6], $0x2FFFF;
	_ =	strace $0x9FFFFFFF  }
0xc1: {  	(tm) =	ssettm $0x7FFFFFFF  }
tec
execute0_lowered:
.L_overlay_start_1:
0x0: {  	(tag) =	ssettag $0x1  }
0x1: {  	s0 =	rddreg [dreg:$0x0]  }
0x2: {  	s1 =	srdreg.scid;
	s3 =	stileid.u32  }
0x3: {  	s2 =	simm.s32 $0x0;
	s9 =	simm.s32 $0x3;
	s10 =	simm.s32 $0x1  }
0x4: {  	s20 =	simm.s32 $0x2;
	s22 =	simm.s32 $0x880;
	s28 =	simm.s32 $0x2880  }
0x5: {  	s29 =	simm.s32 $0x3080;
	s30 =	simm.s32 $0x3880;
	s31 =	simm.s32 $0x4080  }
0x6: {  	s11 =	simm.s32 $0x5880;
	s12 =	simm.s32 $0x6080;
	s13 =	simm.s32 $0x6880  }
0x7: {  	s14 =	simm.s32 $0x7080;
	s15 =	simm.s32 $0x7880;
	s16 =	simm.s32 $0x8880  }
0x8: {  	s17 =	simm.s32 $0x9080;
	s18 =	simm.s32 $0x9880;
	s19 =	simm.s32 $0xA080  }
0x9: {  	s1 =	sand.u32 $0x1, s1;
	s3 =	sshll.u32 s3, $0x8;
	[smem:$0x7FF] =	sst s2  }
0xa: {  	s7 =	sadd.s32 $0x209700, s0;
	s4 =	sshll.u32 s1, $0x7;
	_ =	strace $0x80000050  }
0xb: {  	s1 =	ssub.s32 $0x2, s1;
	s4 =	sor.u32 s4, s3;
	s3 =	sadd.s32 $0x209400, s0  }
0xc: {  	s23 =	sshrl.u32 s1, $0x1;
	s5 =	sshrl.u32 s4, $0x3;
	s4 =	sshll.u32 s4, $0x7  }
0xd: {  	s1 =	ssub.s32 s1, s23;
	s5 =	sadd.s32 s5, s0;
	s6 =	sadd.s32 s0, s4  }
0xe: {  	s23 =	simm.s32 $0x1080;
	s5 =	sadd.s32 $0x209200, s5;
	[dreg:$0x6] =	wrdreg s6  }
0xf: {  	s8 =	smax.u32 s1, $0x1;
	s24 =	sadd.s32 $0x1000, s6;
	[dreg:$0x2] =	wrdreg s5  }
0x10: {  	s1 =	simm.s32 $0x5080;
	s25 =	sadd.s32 $0x2000, s6;
	[dreg:$0x3] =	wrdreg s24  }
0x11: {  	v2 =	vlaneseq.u32;
	s4 =	simm.s32 $0x8080;
	s26 =	sadd.s32 $0x3000, s6;
	[dreg:$0x4] =	wrdreg s25  }
0x12: {  	vm0 =	vmmov $0xffff;
	v1 =	vshrl.u32 v2, $0x3;
	s6 =	sadd.s32 $0x209600, s0;
	s5 =	sadd.s32 $0x209500, s0;
	[dreg:$0x5] =	wrdreg s26  }
0x13: {  	v0 =	vand.u32 $0x7, v2;
	v2 =	vor.u32 $0x8, v2;
	v1 =	vmul.u32 $0x8, v1;
	s26 =	simm.s32 $0x80;
	s24 =	simm.s32 $0x1880;
	s25 =	simm.s32 $0x2080  }
.LBB2_1:
0x14: {  	s21 =	rddreg [dreg:$0x2]  }
0x15: {  	[tilespmem:s2], [sflag:$0x3] =	stream.linear.gather [hbm4b:s21+s2], $0x80, $0x38;
	[tilespmem:$0x10080] =	vst v63  }
0x16: {  	_ =	swait.ge [sflag:s9], $0x80  }
0x17: {  	[sflag:s9] =	ssyncset.done $0x0  }
0x18: {  	[sflag:s9] =	ssyncadd.s32 $0xFFFFFF80  }
0x19: {  	v3 =	vld [tilespmem:$0x0];
	_ =	sdelay $0x4  }
0x1a: {  	v4 =	vshll.u32 v3, $0x3  }
0x1b: {  	v3 =	vand.u32 $0x7, v3;
	v4 =	vand.u32 $0xFFFFFFC0, v4  }
0x1c: {  	v3 =	vor.u32 v3, v4  }
0x1d: {  	v4 =	vperm.xlane v3, v0;
	_ =	sdelay $0x1  }
0x1e: {  	v4 =	vadd.s32 v1, v4;
	_ =	sdelay $0x4  }
0x1f: {  	[tilespmem:s26], [sflag:$0x1] =	stream.indirect_vreg.gather [hbm4b:s3+s2], $0x80, v4, vm0, $0xb8;
	[tilespmem:$0x10080] =	vst v63  }
0x20: {  	v3 =	vperm.xlane v3, v2  }
0x21: {  	[tilespmem:s22], [sflag:$0x1] =	stream.indirect_vreg.gather [hbm4b:s5+s2], $0x80, v4, vm0, $0xb8;
	[tilespmem:$0x10080] =	vst v63  }
0x22: {  	v3 =	vadd.s32 v1, v3  }
0x23: {  	[tilespmem:s23], [sflag:$0x1] =	stream.indirect_vreg.gather [hbm4b:s6+s2], $0x80, v4, vm0, $0xb8;
	[tilespmem:$0x10080] =	vst v63  }
0x24: {  	_ = 	snop  }
0x25: {  	[tilespmem:s24], [sflag:$0x1] =	stream.indirect_vreg.gather [hbm4b:s7+s2], $0x80, v4, vm0, $0xb8;
	[tilespmem:$0x10080] =	vst v63  }
0x26: {  	_ = 	snop  }
0x27: {  	[tilespmem:s25], [sflag:$0x1] =	stream.indirect_vreg.gather [hbm4b:s3+s2], $0x80, v3, vm0, $0xb8;
	[tilespmem:$0x10080] =	vst v63  }
0x28: {  	_ = 	snop  }
0x29: {  	[tilespmem:s28], [sflag:$0x1] =	stream.indirect_vreg.gather [hbm4b:s5+s2], $0x80, v3, vm0, $0xb8;
	[tilespmem:$0x10080] =	vst v63  }
0x2a: {  	_ = 	snop  }
0x2b: {  	[tilespmem:s29], [sflag:$0x1] =	stream.indirect_vreg.gather [hbm4b:s6+s2], $0x80, v3, vm0, $0xb8;
	[tilespmem:$0x10080] =	vst v63  }
0x2c: {  	_ = 	snop  }
0x2d: {  	[tilespmem:s30], [sflag:$0x1] =	stream.indirect_vreg.gather [hbm4b:s7+s2], $0x80, v3, vm0, $0xb8;
	[tilespmem:$0x10080] =	vst v63  }
0x2e: {  	v3 =	vld [tilespmem:$0x10];
	_ =	sdelay $0x4  }
0x2f: {  	v57 =	vshll.u32 v3, $0x3  }
0x30: {  	v3 =	vand.u32 $0x7, v3;
	v4 =	vand.u32 $0xFFFFFFC0, v57  }
0x31: {  	v3 =	vor.u32 v3, v4  }
0x32: {  	v4 =	vperm.xlane v3, v0;
	_ =	sdelay $0x1  }
0x33: {  	v4 =	vadd.s32 v1, v4;
	_ =	sdelay $0x4  }
0x34: {  	[tilespmem:s31], [sflag:$0x1] =	stream.indirect_vreg.gather [hbm4b:s3+s2], $0x80, v4, vm0, $0xb8;
	[tilespmem:$0x10080] =	vst v63  }
0x35: {  	s0 =	simm.s32 $0x4880;
	v3 =	vperm.xlane v3, v2  }
0x36: {  	[tilespmem:s0], [sflag:$0x1] =	stream.indirect_vreg.gather [hbm4b:s5+s2], $0x80, v4, vm0, $0xb8;
	[tilespmem:$0x10080] =	vst v63  }
0x37: {  	v3 =	vadd.s32 v1, v3  }
0x38: {  	[tilespmem:s1], [sflag:$0x1] =	stream.indirect_vreg.gather [hbm4b:s6+s2], $0x80, v4, vm0, $0xb8;
	[tilespmem:$0x10080] =	vst v63  }
0x39: {  	_ = 	snop  }
0x3a: {  	[tilespmem:s11], [sflag:$0x1] =	stream.indirect_vreg.gather [hbm4b:s7+s2], $0x80, v4, vm0, $0xb8;
	[tilespmem:$0x10080] =	vst v63  }
0x3b: {  	_ = 	snop  }
0x3c: {  	[tilespmem:s12], [sflag:$0x1] =	stream.indirect_vreg.gather [hbm4b:s3+s2], $0x80, v3, vm0, $0xb8;
	[tilespmem:$0x10080] =	vst v63  }
0x3d: {  	_ = 	snop  }
0x3e: {  	[tilespmem:s13], [sflag:$0x1] =	stream.indirect_vreg.gather [hbm4b:s5+s2], $0x80, v3, vm0, $0xb8;
	[tilespmem:$0x10080] =	vst v63  }
0x3f: {  	_ = 	snop  }
0x40: {  	[tilespmem:s14], [sflag:$0x1] =	stream.indirect_vreg.gather [hbm4b:s6+s2], $0x80, v3, vm0, $0xb8;
	[tilespmem:$0x10080] =	vst v63  }
0x41: {  	_ = 	snop  }
0x42: {  	[tilespmem:s15], [sflag:$0x1] =	stream.indirect_vreg.gather [hbm4b:s7+s2], $0x80, v3, vm0, $0xb8;
	[tilespmem:$0x10080] =	vst v63  }
0x43: {  	v3 =	vld [tilespmem:$0x20];
	_ =	sdelay $0x4  }
0x44: {  	v58 =	vshll.u32 v3, $0x3  }
0x45: {  	v3 =	vand.u32 $0x7, v3;
	v4 =	vand.u32 $0xFFFFFFC0, v58  }
0x46: {  	v3 =	vor.u32 v3, v4  }
0x47: {  	v4 =	vperm.xlane v3, v0;
	_ =	sdelay $0x1  }
0x48: {  	v4 =	vadd.s32 v1, v4;
	_ =	sdelay $0x4  }
0x49: {  	[tilespmem:s4], [sflag:$0x2] =	stream.indirect_vreg.gather [hbm4b:s3+s2], $0x80, v4, vm0, $0xb8;
	[tilespmem:$0x10080] =	vst v63  }
0x4a: {  	v3 =	vperm.xlane v3, v2  }
0x4b: {  	[tilespmem:s16], [sflag:$0x2] =	stream.indirect_vreg.gather [hbm4b:s5+s2], $0x80, v4, vm0, $0xb8;
	[tilespmem:$0x10080] =	vst v63  }
0x4c: {  	v3 =	vadd.s32 v1, v3  }
0x4d: {  	[tilespmem:s17], [sflag:$0x2] =	stream.indirect_vreg.gather [hbm4b:s6+s2], $0x80, v4, vm0, $0xb8;
	[tilespmem:$0x10080] =	vst v63  }
0x4e: {  	_ = 	snop  }
0x4f: {  	[tilespmem:s18], [sflag:$0x2] =	stream.indirect_vreg.gather [hbm4b:s7+s2], $0x80, v4, vm0, $0xb8;
	[tilespmem:$0x10080] =	vst v63  }
0x50: {  	_ = 	snop  }
0x51: {  	[tilespmem:s19], [sflag:$0x2] =	stream.indirect_vreg.gather [hbm4b:s3+s2], $0x80, v3, vm0, $0xb8;
	[tilespmem:$0x10080] =	vst v63  }
0x52: {  	s21 =	simm.s32 $0xA880  }
0x53: {  	[tilespmem:s21], [sflag:$0x2] =	stream.indirect_vreg.gather [hbm4b:s5+s2], $0x80, v3, vm0, $0xb8;
	[tilespmem:$0x10080] =	vst v63  }
0x54: {  	s21 =	simm.s32 $0xB080  }
0x55: {  	[tilespmem:s21], [sflag:$0x2] =	stream.indirect_vreg.gather [hbm4b:s6+s2], $0x80, v3, vm0, $0xb8;
	[tilespmem:$0x10080] =	vst v63  }
0x56: {  	s21 =	simm.s32 $0xB880  }
0x57: {  	[tilespmem:s21], [sflag:$0x2] =	stream.indirect_vreg.gather [hbm4b:s7+s2], $0x80, v3, vm0, $0xb8;
	[tilespmem:$0x10080] =	vst v63  }
0x58: {  	v3 =	vld [tilespmem:$0x30];
	_ =	sdelay $0x4  }
0x59: {  	v59 =	vshll.u32 v3, $0x3  }
0x5a: {  	v3 =	vand.u32 $0x7, v3;
	v4 =	vand.u32 $0xFFFFFFC0, v59  }
0x5b: {  	v3 =	vor.u32 v3, v4  }
0x5c: {  	v4 =	vperm.xlane v3, v0;
	_ =	sdelay $0x1  }
0x5d: {  	v4 =	vadd.s32 v1, v4;
	_ =	sdelay $0x3  }
0x5e: {  	s21 =	simm.s32 $0xC080  }
0x5f: {  	[tilespmem:s21], [sflag:$0x2] =	stream.indirect_vreg.gather [hbm4b:s3+s2], $0x80, v4, vm0, $0xb8;
	[tilespmem:$0x10080] =	vst v63  }
0x60: {  	v3 =	vperm.xlane v3, v2;
	s21 =	simm.s32 $0xC880  }
0x61: {  	[tilespmem:s21], [sflag:$0x2] =	stream.indirect_vreg.gather [hbm4b:s5+s2], $0x80, v4, vm0, $0xb8;
	[tilespmem:$0x10080] =	vst v63  }
0x62: {  	v3 =	vadd.s32 v1, v3;
	s21 =	simm.s32 $0xD080  }
0x63: {  	[tilespmem:s21], [sflag:$0x2] =	stream.indirect_vreg.gather [hbm4b:s6+s2], $0x80, v4, vm0, $0xb8;
	[tilespmem:$0x10080] =	vst v63  }
0x64: {  	s21 =	simm.s32 $0xD880  }
0x65: {  	[tilespmem:s21], [sflag:$0x2] =	stream.indirect_vreg.gather [hbm4b:s7+s2], $0x80, v4, vm0, $0xb8;
	[tilespmem:$0x10080] =	vst v63  }
0x66: {  	s21 =	simm.s32 $0xE080  }
0x67: {  	[tilespmem:s21], [sflag:$0x2] =	stream.indirect_vreg.gather [hbm4b:s3+s2], $0x80, v3, vm0, $0xb8;
	[tilespmem:$0x10080] =	vst v63  }
0x68: {  	s21 =	simm.s32 $0xE880  }
0x69: {  	[tilespmem:s21], [sflag:$0x2] =	stream.indirect_vreg.gather [hbm4b:s5+s2], $0x80, v3, vm0, $0xb8;
	[tilespmem:$0x10080] =	vst v63  }
0x6a: {  	s21 =	simm.s32 $0xF080  }
0x6b: {  	[tilespmem:s21], [sflag:$0x2] =	stream.indirect_vreg.gather [hbm4b:s6+s2], $0x80, v3, vm0, $0xb8;
	[tilespmem:$0x10080] =	vst v63  }
0x6c: {  	s21 =	simm.s32 $0xF880  }
0x6d: {  	[tilespmem:s21], [sflag:$0x2] =	stream.indirect_vreg.gather [hbm4b:s7+s2], $0x80, v3, vm0, $0xb8;
	[tilespmem:$0x10080] =	vst v63  }
0x6e: {  	_ =	swait.ge [sflag:s10], $0x8000  }
0x6f: {  	[sflag:s10] =	ssyncset.done $0x0  }
0x70: {  	s21 =	rddreg [dreg:$0x6];
	[sflag:s10] =	ssyncadd.s32 $0xFFFF8000  }
0x71: {  	[hbm4b:s21+s2] =	stream.linear.scatter [tilespmem:s26], [sflag:$0x3], $0x8000, $0x38;
	[tilespmem:$0x10080] =	vst v63  }
0x72: {  	_ =	swait.ge [sflag:s9], $0x8000  }
0x73: {  	[sflag:s9] =	ssyncset.done $0x0  }
0x74: {  	[sflag:s9] =	ssyncadd.s32 $0xFFFF8000  }
0x75: {  	v3 =	vld [tilespmem:$0x40];
	_ =	sdelay $0x4  }
0x76: {  	v60 =	vshll.u32 v3, $0x3  }
0x77: {  	v3 =	vand.u32 $0x7, v3;
	v4 =	vand.u32 $0xFFFFFFC0, v60  }
0x78: {  	v3 =	vor.u32 v3, v4  }
0x79: {  	v4 =	vperm.xlane v3, v0;
	_ =	sdelay $0x1  }
0x7a: {  	v4 =	vadd.s32 v1, v4;
	_ =	sdelay $0x4  }
0x7b: {  	[tilespmem:s26], [sflag:$0x1] =	stream.indirect_vreg.gather [hbm4b:s3+s2], $0x80, v4, vm0, $0xb8;
	[tilespmem:$0x10080] =	vst v63  }
0x7c: {  	v3 =	vperm.xlane v3, v2  }
0x7d: {  	[tilespmem:s22], [sflag:$0x1] =	stream.indirect_vreg.gather [hbm4b:s5+s2], $0x80, v4, vm0, $0xb8;
	[tilespmem:$0x10080] =	vst v63  }
0x7e: {  	v3 =	vadd.s32 v1, v3  }
0x7f: {  	[tilespmem:s23], [sflag:$0x1] =	stream.indirect_vreg.gather [hbm4b:s6+s2], $0x80, v4, vm0, $0xb8;
	[tilespmem:$0x10080] =	vst v63  }
0x80: {  	_ = 	snop  }
0x81: {  	[tilespmem:s24], [sflag:$0x1] =	stream.indirect_vreg.gather [hbm4b:s7+s2], $0x80, v4, vm0, $0xb8;
	[tilespmem:$0x10080] =	vst v63  }
0x82: {  	_ = 	snop  }
0x83: {  	[tilespmem:s25], [sflag:$0x1] =	stream.indirect_vreg.gather [hbm4b:s3+s2], $0x80, v3, vm0, $0xb8;
	[tilespmem:$0x10080] =	vst v63  }
0x84: {  	_ = 	snop  }
0x85: {  	[tilespmem:s28], [sflag:$0x1] =	stream.indirect_vreg.gather [hbm4b:s5+s2], $0x80, v3, vm0, $0xb8;
	[tilespmem:$0x10080] =	vst v63  }
0x86: {  	_ = 	snop  }
0x87: {  	[tilespmem:s29], [sflag:$0x1] =	stream.indirect_vreg.gather [hbm4b:s6+s2], $0x80, v3, vm0, $0xb8;
	[tilespmem:$0x10080] =	vst v63  }
0x88: {  	_ = 	snop  }
0x89: {  	[tilespmem:s30], [sflag:$0x1] =	stream.indirect_vreg.gather [hbm4b:s7+s2], $0x80, v3, vm0, $0xb8;
	[tilespmem:$0x10080] =	vst v63  }
0x8a: {  	v3 =	vld [tilespmem:$0x50];
	_ =	sdelay $0x4  }
0x8b: {  	v61 =	vshll.u32 v3, $0x3  }
0x8c: {  	v3 =	vand.u32 $0x7, v3;
	v4 =	vand.u32 $0xFFFFFFC0, v61  }
0x8d: {  	v3 =	vor.u32 v3, v4  }
0x8e: {  	v4 =	vperm.xlane v3, v0;
	_ =	sdelay $0x1  }
0x8f: {  	v4 =	vadd.s32 v1, v4;
	_ =	sdelay $0x4  }
0x90: {  	[tilespmem:s31], [sflag:$0x1] =	stream.indirect_vreg.gather [hbm4b:s3+s2], $0x80, v4, vm0, $0xb8;
	[tilespmem:$0x10080] =	vst v63  }
0x91: {  	v3 =	vperm.xlane v3, v2  }
0x92: {  	[tilespmem:s0], [sflag:$0x1] =	stream.indirect_vreg.gather [hbm4b:s5+s2], $0x80, v4, vm0, $0xb8;
	[tilespmem:$0x10080] =	vst v63  }
0x93: {  	v3 =	vadd.s32 v1, v3  }
0x94: {  	[tilespmem:s1], [sflag:$0x1] =	stream.indirect_vreg.gather [hbm4b:s6+s2], $0x80, v4, vm0, $0xb8;
	[tilespmem:$0x10080] =	vst v63  }
0x95: {  	_ = 	snop  }
0x96: {  	[tilespmem:s11], [sflag:$0x1] =	stream.indirect_vreg.gather [hbm4b:s7+s2], $0x80, v4, vm0, $0xb8;
	[tilespmem:$0x10080] =	vst v63  }
0x97: {  	_ = 	snop  }
0x98: {  	[tilespmem:s12], [sflag:$0x1] =	stream.indirect_vreg.gather [hbm4b:s3+s2], $0x80, v3, vm0, $0xb8;
	[tilespmem:$0x10080] =	vst v63  }
0x99: {  	_ = 	snop  }
0x9a: {  	[tilespmem:s13], [sflag:$0x1] =	stream.indirect_vreg.gather [hbm4b:s5+s2], $0x80, v3, vm0, $0xb8;
	[tilespmem:$0x10080] =	vst v63  }
0x9b: {  	_ = 	snop  }
0x9c: {  	[tilespmem:s14], [sflag:$0x1] =	stream.indirect_vreg.gather [hbm4b:s6+s2], $0x80, v3, vm0, $0xb8;
	[tilespmem:$0x10080] =	vst v63  }
0x9d: {  	_ = 	snop  }
0x9e: {  	[tilespmem:s15], [sflag:$0x1] =	stream.indirect_vreg.gather [hbm4b:s7+s2], $0x80, v3, vm0, $0xb8;
	[tilespmem:$0x10080] =	vst v63  }
0x9f: {  	_ =	swait.ge [sflag:s20], $0x8000  }
0xa0: {  	[sflag:s20] =	ssyncset.done $0x0  }
0xa1: {  	s0 =	rddreg [dreg:$0x3];
	[sflag:s20] =	ssyncadd.s32 $0xFFFF8000  }
0xa2: {  	[hbm4b:s0+s2] =	stream.linear.scatter [tilespmem:s4], [sflag:$0x3], $0x8000, $0x38;
	[tilespmem:$0x10080] =	vst v63  }
0xa3: {  	_ =	swait.ge [sflag:s9], $0x8000  }
0xa4: {  	[sflag:s9] =	ssyncset.done $0x0  }
0xa5: {  	[sflag:s9] =	ssyncadd.s32 $0xFFFF8000  }
0xa6: {  	v3 =	vld [tilespmem:$0x60];
	_ =	sdelay $0x4  }
0xa7: {  	v62 =	vshll.u32 v3, $0x3  }
0xa8: {  	v3 =	vand.u32 $0x7, v3;
	v4 =	vand.u32 $0xFFFFFFC0, v62  }
0xa9: {  	v3 =	vor.u32 v3, v4  }
0xaa: {  	v4 =	vperm.xlane v3, v0;
	_ =	sdelay $0x1  }
0xab: {  	v4 =	vadd.s32 v1, v4;
	_ =	sdelay $0x4  }
0xac: {  	[tilespmem:s4], [sflag:$0x2] =	stream.indirect_vreg.gather [hbm4b:s3+s2], $0x80, v4, vm0, $0xb8;
	[tilespmem:$0x10080] =	vst v63  }
0xad: {  	v3 =	vperm.xlane v3, v2  }
0xae: {  	[tilespmem:s16], [sflag:$0x2] =	stream.indirect_vreg.gather [hbm4b:s5+s2], $0x80, v4, vm0, $0xb8;
	[tilespmem:$0x10080] =	vst v63  }
0xaf: {  	v3 =	vadd.s32 v1, v3  }
0xb0: {  	[tilespmem:s17], [sflag:$0x2] =	stream.indirect_vreg.gather [hbm4b:s6+s2], $0x80, v4, vm0, $0xb8;
	[tilespmem:$0x10080] =	vst v63  }
0xb1: {  	_ = 	snop  }
0xb2: {  	[tilespmem:s18], [sflag:$0x2] =	stream.indirect_vreg.gather [hbm4b:s7+s2], $0x80, v4, vm0, $0xb8;
	[tilespmem:$0x10080] =	vst v63  }
0xb3: {  	_ = 	snop  }
0xb4: {  	[tilespmem:s19], [sflag:$0x2] =	stream.indirect_vreg.gather [hbm4b:s3+s2], $0x80, v3, vm0, $0xb8;
	[tilespmem:$0x10080] =	vst v63  }
0xb5: {  	s21 =	simm.s32 $0xA880  }
0xb6: {  	[tilespmem:s21], [sflag:$0x2] =	stream.indirect_vreg.gather [hbm4b:s5+s2], $0x80, v3, vm0, $0xb8;
	[tilespmem:$0x10080] =	vst v63  }
0xb7: {  	s21 =	simm.s32 $0xB080  }
0xb8: {  	[tilespmem:s21], [sflag:$0x2] =	stream.indirect_vreg.gather [hbm4b:s6+s2], $0x80, v3, vm0, $0xb8;
	[tilespmem:$0x10080] =	vst v63  }
0xb9: {  	s21 =	simm.s32 $0xB880  }
0xba: {  	[tilespmem:s21], [sflag:$0x2] =	stream.indirect_vreg.gather [hbm4b:s7+s2], $0x80, v3, vm0, $0xb8;
	[tilespmem:$0x10080] =	vst v63  }
0xbb: {  	v3 =	vld [tilespmem:$0x70];
	_ =	sdelay $0x4  }
0xbc: {  	v63 =	vshll.u32 v3, $0x3  }
0xbd: {  	v3 =	vand.u32 $0x7, v3;
	v4 =	vand.u32 $0xFFFFFFC0, v63  }
0xbe: {  	v3 =	vor.u32 v3, v4  }
0xbf: {  	v4 =	vperm.xlane v3, v0;
	_ =	sdelay $0x1  }
0xc0: {  	v4 =	vadd.s32 v1, v4;
	_ =	sdelay $0x3  }
0xc1: {  	s21 =	simm.s32 $0xC080  }
0xc2: {  	[tilespmem:s21], [sflag:$0x2] =	stream.indirect_vreg.gather [hbm4b:s3+s2], $0x80, v4, vm0, $0xb8;
	[tilespmem:$0x10080] =	vst v63  }
0xc3: {  	v3 =	vperm.xlane v3, v2;
	s21 =	simm.s32 $0xC880  }
0xc4: {  	[tilespmem:s21], [sflag:$0x2] =	stream.indirect_vreg.gather [hbm4b:s5+s2], $0x80, v4, vm0, $0xb8;
	[tilespmem:$0x10080] =	vst v63  }
0xc5: {  	v3 =	vadd.s32 v1, v3;
	s21 =	simm.s32 $0xD080  }
0xc6: {  	[tilespmem:s21], [sflag:$0x2] =	stream.indirect_vreg.gather [hbm4b:s6+s2], $0x80, v4, vm0, $0xb8;
	[tilespmem:$0x10080] =	vst v63  }
0xc7: {  	s21 =	simm.s32 $0xD880  }
0xc8: {  	[tilespmem:s21], [sflag:$0x2] =	stream.indirect_vreg.gather [hbm4b:s7+s2], $0x80, v4, vm0, $0xb8;
	[tilespmem:$0x10080] =	vst v63  }
0xc9: {  	s21 =	simm.s32 $0xE080  }
0xca: {  	[tilespmem:s21], [sflag:$0x2] =	stream.indirect_vreg.gather [hbm4b:s3+s2], $0x80, v3, vm0, $0xb8;
	[tilespmem:$0x10080] =	vst v63  }
0xcb: {  	s21 =	simm.s32 $0xE880  }
0xcc: {  	[tilespmem:s21], [sflag:$0x2] =	stream.indirect_vreg.gather [hbm4b:s5+s2], $0x80, v3, vm0, $0xb8;
	[tilespmem:$0x10080] =	vst v63  }
0xcd: {  	s21 =	simm.s32 $0xF080  }
0xce: {  	[tilespmem:s21], [sflag:$0x2] =	stream.indirect_vreg.gather [hbm4b:s6+s2], $0x80, v3, vm0, $0xb8;
	[tilespmem:$0x10080] =	vst v63  }
0xcf: {  	s21 =	simm.s32 $0xF880  }
0xd0: {  	[tilespmem:s21], [sflag:$0x2] =	stream.indirect_vreg.gather [hbm4b:s7+s2], $0x80, v3, vm0, $0xb8;
	[tilespmem:$0x10080] =	vst v63  }
0xd1: {  	_ =	swait.ge [sflag:s10], $0x8000  }
0xd2: {  	[sflag:s10] =	ssyncset.done $0x0  }
0xd3: {  	s0 =	rddreg [dreg:$0x4];
	[sflag:s10] =	ssyncadd.s32 $0xFFFF8000  }
0xd4: {  	[hbm4b:s0+s2] =	stream.linear.scatter [tilespmem:s26], [sflag:$0x3], $0x8000, $0x38;
	[tilespmem:$0x10080] =	vst v63  }
0xd5: {  	_ =	swait.ge [sflag:s9], $0x8000  }
0xd6: {  	[sflag:s9] =	ssyncset.done $0x0  }
0xd7: {  	[sflag:s9] =	ssyncadd.s32 $0xFFFF8000  }
0xd8: {  	_ =	swait.ge [sflag:s20], $0x8000  }
0xd9: {  	p0 =	sne.s32 s8, $0x1;
	[sflag:s20] =	ssyncset.done $0x0  }
.Ltmp0:
0xda: {  	s0 =	rddreg [dreg:$0x5];
	[sflag:s20] =	ssyncadd.s32 $0xFFFF8000;
	(pc) =	sbr.rel @p0 .LBB2_1-.Ltmp0, $4  }
0xdb: {  	[hbm4b:s0+s2] =	stream.linear.scatter [tilespmem:s4], [sflag:$0x3], $0x8000, $0x38;
	[tilespmem:$0x10080] =	vst v63  }
0xdc: {  	_ =	swait.ge [sflag:s9], $0x8000  }
0xdd: {  	[sflag:s9] =	ssyncset.done $0x0  }
0xde: {  	s8 =	sadd.s32 $0xFFFFFFFF, s8;
	[sflag:s9] =	ssyncadd.s32 $0xFFFF8000  }
0xdf: {  	_ =	sfence.sel $0x180000  }
0xe0: {  	[bflag:$0x0] =	sbarrier.arrive $0xFFFF  }
0xe1: {  	_ =	strace $0x90000050  }
0xe2: {  	s0 =	stileid.u32;
	[bflag:$0x2] =	sbarrier.arrive $0xFFFF  }
0xe3: {  	p0 =	sne.s32 s0, $0x0;
	s0 =	rddreg [dreg:$0x1]  }
0xe4: {  	s0 =	sadd.s32 @!p0 $0x100000, s0  }
0xe5: {  	[sflag:s0] =	ssyncadd.tile.s32 @!p0 $0x1;
	_ =	shalt  }
.Lfunc_end2:
_tile_overlayer_lowered:
.L_overlay_start_2:
0xe6: {  	(tag) =	ssettag $0x2  }
0xe7: {  	s0 =	rddreg [dreg:$0x0];
	s2 =	stileid.u32  }
0xe8: {  	s1 =	rddreg [dreg:$0x1];
	p0 =	sne.s32 s2, $0x0  }
0xe9: {  	s3 =	rddreg [dreg:$0x2];
	[bflag:$0x3] =	sbarrier.arrive $0xFFFF;
	s2 =	simm.s32 @!p0 $0x1C03  }
0xea: {  	[timem:s3], [sflag:s2] =	dma.local @!p0 [hbm:s0], s1  }
0xeb: {  	s0 =	simm.s32 @!p0 $0x3  }
0xec: {  	_ =	swait.ge @!p0 [sflag:s0], s1  }
0xed: {  	s1 =	ssub.s32 @!p0 $0x0, s1;
	[sflag:s0] =	ssyncset.done @!p0 $0x0  }
0xee: {  	[sflag:s0] =	ssyncadd.s32 @!p0 s1  }
0xef: {  	[bflag:$0x3] =	sbarrier.arrive $0xFFFF  }
0xf0: {  	_ =	shalt  }

// kernel: sparse-core-data-format-call.cloned.1.call-start
scs
called_computation_lowered:
.L_overlay_start_0:
0x0: {  	s2 =	sld [smem:$0x3FD9]  }
0x1: {  	s3 =	sld [smem:$0x3FFE];
	_ =	sdelay $0x1  }
0x2: {  	s1 =	srdreg.scid  }
0x3: {  	s0 =	sand.u32 $0x1, s1  }
0x4: {  	s18 =	sshll.u32 s0, $0xA;
	s2 =	sadd.s32 s3, s2  }
0x5: {  	s2 =	sadd.s32 s2, s18  }
0x6: {  	[smem:$0x3FC1] =	sst s2  }
0x7: {  	_ = 	snop  }
0x8: {  	(tm) =	ssettm $0x1  }
0x9: {  	s19 =	sld [smem:$0x3FFB];
	_ =	sdelay $0x3  }
0xa: {  	_ =	strace s19  }
0xb: {  	s2 =	sld [smem:$0x3FFC];
	_ =	sdelay $0x3  }
0xc: {  	_ =	strace s2  }
0xd: {  	s2 =	sld [smem:$0x3FFD];
	_ =	sdelay $0x3  }
0xe: {  	_ =	strace s2  }
0xf: {  	_ =	strace $0x8FFFFFFF  }
0x10: {  	s20 =	sld [smem:$0x3FDB];
	_ =	sdelay $0x1  }
0x11: {  	s21 =	simm.s32 $_scs_section_size  }
0x12: {  	s4 =	simm.s32 $_size__tile_overlayer_lowered;
	s5 =	simm.s32 $_tile_overlayer_lowered  }
0x13: {  	s6 =	simm.s32 $0x1BFF;
	s22 =	sshll.u32 s5, $0x1;
	s3 =	sadd.s32 s21, s20  }
0x14: {  	s23 =	simm.s32 $0x0;
	s4 =	sshll.u32 s4, $0x1;
	s5 =	sadd.s32 s22, s3  }
0x15: {  	[timem:s23], [sflag:s6] =	dma.local [hbm:s5], s4  }
0x16: {  	_ =	swait.ge [sflag:s6], s4  }
0x17: {  	s4 =	ssub.s32 $0x0, s4;
	[sflag:s6] =	ssyncset.done $0x0  }
0x18: {  	[sflag:s6] =	ssyncadd.s32 s4;
	_ =	sdelay $0x1  }
0x19: {  	s24 =	simm.s32 $0x1B8B  }
0x1a: {  	_ =	swait.ge [sflag:s24], $0x1  }
0x1b: {  	[sflag:s24] =	ssyncset.done $0x0  }
0x1c: {  	[sflag:s24] =	ssyncadd.s32 $0xFFFFFFFF  }
0x1d: {  	s4 =	sld [smem:$0x0]  }
0x1e: {  	s5 =	sand.u32 $0xFFFFFFFE, s1  }
0x1f: {  	p0 =	sne.s32 s1, s5  }
0x20: {  	s5 =	sshll.u32 @p0 s5, $0xE  }
0x21: {  	s5 =	sadd.s32 @p0 $0x11B8D, s5;
	s6 =	sshll.u32 @p0 s4, $0x11  }
0x22: {  	s5 =	sor.u32 @p0 s6, s5  }
0x23: {  	[sflag:s5] =	ssyncadd.remote.s32 @p0 $0x1;
	_ =	sdelay $0x1  }
0x24: {  	s5 =	simm.s32 @p0 $0x1B8D  }
0x25: {  	_ =	swait.eq @p0 [sflag:s5], $0x1  }
0x26: {  	[sflag:s5] =	ssyncadd.s32 @p0 $0xFFFFFFFF  }
0x27: {  	s6 =	sshll.u32 @!p0 s1, $0xE  }
0x28: {  	s6 =	sor.u32 @!p0 $0x4000, s6;
	s5 =	simm.s32 @!p0 $0x1B8D  }
0x29: {  	s4 =	sshll.u32 @!p0 s4, $0x11;
	s6 =	sadd.s32 @!p0 $0x11B8D, s6;
	_ =	swait.eq @!p0 [sflag:s5], $0x1  }
0x2a: {  	s4 =	sor.u32 @!p0 s4, s6;
	[sflag:s5] =	ssyncadd.s32 @!p0 $0xFFFFFFFF  }
0x2b: {  	s26 =	simm.s32 $0x1B8E;
	s25 =	sld [smem:$0x3FFE];
	[sflag:s4] =	ssyncadd.remote.s32 @!p0 $0x1  }
0x2c: {  	s27 =	simm.s32 $execute0_lowered;
	[smem:$0x3FD2] =	sst s26  }
0x2d: {  	s5 =	sshll.u32 s27, $0x1;
	_ =	strace $0x80000049;
	[dreg:$0x1] =	wrdreg $0xFFFFFFFF  }
0x2e: {  	s28 =	simm.s32 $_size_execute0_lowered;
	s3 =	sadd.s32 s3, s5;
	[dreg:$0x0] =	wrdreg $0x0  }
0x2f: {  	s5 =	sshll.u32 s28, $0x1;
	[dreg:$0x2] =	wrdreg s3  }
0x30: {  	[dreg:$0x3] =	wrdreg s5  }
0x31: {  	[dreg:$0x4] =	wrdreg $0xC0  }
0x32: {  	_ =	task [dreg:s23], $0x5FFFF  }
0x33: {  	[dreg:$0x1] =	wrdreg $0xFFFFFFFF  }
0x34: {  	[dreg:$0x0] =	wrdreg $0x60  }
0x35: {  	[dreg:$0x2] =	wrdreg s25  }
0x36: {  	[dreg:$0x3] =	wrdreg $0x9  }
0x37: {  	_ =	task.clear_ibuf [dreg:s23], $0x4FFFF;
	_ =	strace $0x90000049  }
0x38: {  	s29 =	simm.s32 $0x9;
	_ =	strace $0x8000004B  }
0x39: {  	_ =	swait.ge [sflag:s29], $0x1  }
0x3a: {  	[sflag:s29] =	ssyncadd.s32 $0xFFFFFFFF  }
0x3b: {  	_ =	strace $0x9000004B  }
0x3c: {  	_ =	sfence  }
0x3d: {  	s30 =	sld [smem:$0x0];
	_ =	sdelay $0x2  }
0x3e: {  	s31 =	sshll.u32 s1, $0xD;
	s1 =	sshrl.u32 s1, $0x2  }
0x3f: {  	s4 =	sand.u32 $0x4000, s31;
	s1 =	sadd.s32 s1, s30  }
0x40: {  	s0 =	sor.u32 s4, s0;
	s1 =	sshll.u32 s1, $0x11  }
0x41: {  	s0 =	sor.u32 s1, s0  }
0x42: {  	s0 =	sadd.s32 $0x8F2B, s0  }
0x43: {  	[sflag:s0] =	ssyncadd.remote.s32 $0x1  }
0x44: {  	_ =	sfence.sel $0xFFFF  }
0x45: {  	[dreg:$0x0] =	wrdreg $0xFFFFFFFF;
	(pc) =	sbr.abs _section_cstart, $3  }
0x46: {  	[dreg:$0x1] =	wrdreg $0xFFFFFFFF  }
0x47: {  	_ =	task.clear_ibuf [dreg:s23], $0x2FFFF;
	_ =	strace $0x9FFFFFFF  }
0x48: {  	(tm) =	ssettm $0x7FFFFFFF  }
0x49: {  	_ =	shalt  }
tec
execute0_lowered:
.L_overlay_start_1:
0x0: {  	(tag) =	ssettag $0x1  }
0x1: {  	s0 =	stileid.u32  }
0x2: {  	s2 =	srdreg.scid;
	s8 =	rddreg [dreg:$0x0]  }
0x3: {  	s5 =	simm.s32 $0x1;
	s9 =	simm.s32 $0x2;
	s19 =	simm.s32 $0x0  }
0x4: {  	s10 =	simm.s32 $0x2000;
	s17 =	simm.s32 $0x0;
	s18 =	simm.s32 $0x0  }
0x5: {  	s16 =	simm.s32 $0x0;
	s11 =	simm.s32 $0x0;
	s1 =	sshll.u32 s0, $0x7  }
0x6: {  	s12 =	simm.s32 $0x0;
	s15 =	simm.s32 $0x0;
	s4 =	ssub.s32 $0x800, s1  }
0x7: {  	s3 =	sand.u32 $0x1, s2;
	s2 =	rddreg [dreg:$0x1];
	s30 =	sand.u32 $0x780, s4  }
0x8: {  	_ =	strace $0x8000004A;
	s6 =	ssub.s32 $0x2, s3;
	p0 =	sne.s32 s30, $0x0  }
0x9: {  	s4 =	sshrl.u32 s4, $0xB;
	s7 =	sshrl.u32 s6, $0x1;
	s5 =	simm.s32 @!p0 $0x0  }
.Ltmp0:
0xa: {  	s31 =	ssub.s32 s6, s7;
	s4 =	sadd.s32 s5, s4;
	(pc) =	sbr.rel .LBB1_1-.Ltmp0, $4  }
0xb: {  	s13 =	smov.u32 s3;
	s6 =	simm.s32 $0x1;
	s7 =	smul.u32 s4, s31  }
0xc: {  	s14 =	smov.u32 s1;
	[sflag:s6] =	ssyncpa.u1 $0x0;
	p0 =	por $0x0, $0x0  }
0xd: {  	s5 =	sadd.s32 $0x209400, s8;
	[sflag:s9] =	ssyncpa.u1 $0x0;
	s7 =	sshll.u32 s7, $0x5  }
0xe: {  	s4 =	sadd.s32 $0x9200, s8;
	s8 =	sadd.s32 $0x229400, s8;
	s9 =	sor.u32 $0x1, s7  }
.LBB1_4:
0xf: {  	v11 =	vld [tilespmem:s24+$0xFFFFFFE0];
	v12 =	vcombine.low v6, v7  }
0x10: {  	v3 =	vperm.xlane.i2c.b16 v3;
	[tilespmem:s25+$0x3870 ss:$0x81] =	vst.msk $0xffff, v9;
	v46 =	vld [tilespmem:s24+$0xFFFFFFF0];
	v4 =	vperm.xlane.i2c.b16 v4  }
0x11: {  	v47 =	vcombine.high v6, v7;
	[tilespmem:s23+$0x2040 ss:$0x81] =	vst.msk $0xffff, v10;
	v48 =	vld [tilespmem:s24+$0x0];
	v5 =	vperm.xlane.i2c.b16 v5  }
0x12: {  	v50 =	vld [tilespmem:s24+$0x10];
	v2 =	vperm.xlane.i2c.b16 v2;
	[tilespmem:s25+$0x810 ss:$0x81] =	vst.msk $0xffff, v12;
	v49 =	vcombine.low v8, v3  }
0x13: {  	v52 =	vld [tilespmem:s24+$0xFFFFFFC0];
	v1 =	vperm.xlane.i2c.b16 v1;
	v51 =	vcombine.low v4, v0;
	[tilespmem:s25+$0x2850 ss:$0x81] =	vst.msk $0xffff, v47  }
0x14: {  	s28 =	sshra.s32 s26, $0x2;
	v3 =	vcombine.high v8, v3;
	v53 =	vcombine.low v2, v5;
	[tilespmem:s25+$0x1020 ss:$0x81] =	vst.msk $0xffff, v49  }
0x15: {  	s22 =	sadd.s32 s28, s22;
	v2 =	vcombine.high v2, v5;
	v56 =	vcombine.high v4, v0;
	[tilespmem:s25+$0x0 ss:$0x81] =	vst.msk $0xffff, v51  }
0x16: {  	[tilespmem:s22+$0x1830 ss:$0x81] =	vst.msk $0xffff, v53;
	v11 =	vperm.xlane.i2c.b16 v11;
	v54 =	vperm.xlane.i2c.b16 v46  }
0x17: {  	s29 =	sshll.u32 s19, $0xB;
	s30 =	sshll.u32 s16, $0x3;
	s26 =	sshll.u32 s19, $0x7;
	[tilespmem:s25+$0x3060 ss:$0x81] =	vst.msk $0xffff, v3;
	v55 =	vperm.xlane.i2c.b16 v48;
	v58 =	vperm.xlane.i2c.b16 v50  }
0x18: {  	s27 =	sshll.u32 s16, $0x1;
	s18 =	sshll.u32 s18, $0x14;
	s17 =	sshll.u32 s17, $0x11;
	[tilespmem:s22+$0x3870 ss:$0x81] =	vst.msk $0xffff, v2;
	v60 =	vperm.xlane.i2c.b16 v52;
	v57 =	vcombine.low v11, v54  }
0x19: {  	s23 =	sand.u32 $0x1FC000, s29;
	s31 =	sand.u32 $0x1FFC00, s30;
	s19 =	sand.u32 $0x300, s26;
	[tilespmem:s25+$0x2040 ss:$0x81] =	vst.msk $0xffff, v56;
	v61 =	vcombine.low v55, v58  }
0x1a: {  	s24 =	sand.u32 $0x400, s30;
	s28 =	sadd.s32 s18, s17;
	s29 =	sand.u32 $0x7, s16;
	v63 =	vcombine.low v60, v1;
	[tilespmem:s22+$0x810 ss:$0x81] =	vst.msk $0xffff, v57  }
0x1b: {  	s18 =	sadd.s32 s18, s8;
	s23 =	sadd.s32 s31, s23;
	s25 =	sand.u32 $0xF0, s27;
	v59 =	vcombine.high v11, v54;
	[tilespmem:s22+$0x1020 ss:$0x81] =	vst.msk $0xffff, v61  }
0x1c: {  	s16 =	sshll.u32 s29, $0x12;
	s23 =	sshrl.u32 s23, $0x4;
	s24 =	sor.u32 s24, s25;
	v62 =	vcombine.high v55, v58;
	[tilespmem:s22+$0x0 ss:$0x81] =	vst.msk $0xffff, v63  }
0x1d: {  	s23 =	sand.u32 $0x1FF80, s23;
	s19 =	sor.u32 s19, s24;
	v0 =	vcombine.high v60, v1;
	s24 =	sadd.s32 s5, s28;
	[tilespmem:s22+$0x2850 ss:$0x81] =	vst.msk $0xffff, v59  }
0x1e: {  	s17 =	sadd.s32 s17, s18;
	s19 =	sshrl.u32 s19, $0x4;
	s24 =	sadd.s32 s23, s24;
	[tilespmem:s22+$0x3060 ss:$0x81] =	vst.msk $0xffff, v62  }
0x1f: {  	s16 =	sor.u32 $0x200, s16;
	s17 =	sadd.s32 s23, s17;
	s30 =	sadd.s32 s19, s24;
	[tilespmem:s22+$0x2040 ss:$0x81] =	vst.msk $0xffff, v0  }
0x20: {  	[hbm4b:s30+s16] =	stream.strided.scatter [tilespmem:s21], [sflag:$0x2], $0x2000, s10, s16, $0x20;
	[tilespmem:$0x10100] =	vst v63  }
0x21: {  	s31 =	sadd.s32 $0xA040, s20;
	s17 =	sadd.s32 s19, s17  }
0x22: {  	[hbm4b:s17+s16] =	stream.strided.scatter [tilespmem:s31], [sflag:$0x2], $0x2000, s10, s16, $0x20;
	[tilespmem:$0x10100] =	vst v63  }
.LBB1_5:
0x23: {  	s20 =	sadd.s32 $0x80, s11  }
0x24: {  	s16 =	sadd.s32 $0x2, s12;
	s21 =	smov.u32 s12;
	p2 =	sgt.s32 s20, $0x3FF  }
0x25: {  	s21 =	smov.u32 @p2 s16  }
0x26: {  	s22 =	smov.u32 s13;
	s16 =	sadd.s32 $0x2, s13;
	p3 =	sgt.s32 s21, $0x7  }
0x27: {  	s22 =	smov.u32 @p3 s16  }
0x28: {  	s23 =	smov.u32 s14;
	s16 =	sadd.s32 $0x800, s14;
	p4 =	sgt.s32 s22, $0x1  }
0x29: {  	p1 =	slt.u32 s15, $0x2;
	s23 =	smov.u32 @p4 s16  }
0x2a: {  	s19 =	smov.u32 s11;
	s20 =	simm.s32 @p2 $0x0;
	p2 =	sgt.s32 s23, $0x7FF  }
0x2b: {  	s24 =	simm.s32 @!p1 $0x2;
	s23 =	smov.u32 @p2 s1;
	p2 =	sne.s32 s15, s9  }
.Ltmp1:
0x2c: {  	s17 =	smov.u32 s12;
	_ =	swait.ge @!p1 [sflag:s24], $0x4000;
	(pc) =	sbr.rel @!p2 .LBB1_6-.Ltmp1, $4  }
0x2d: {  	s18 =	smov.u32 s13;
	p0 =	por !p0, !p0;
	[sflag:s24] =	ssyncset.done @!p1 $0x0  }
0x2e: {  	s11 =	smov.u32 s20;
	s21 =	simm.s32 @p3 $0x0;
	[sflag:s24] =	ssyncadd.s32 @!p1 $0xFFFFC000  }
0x2f: {  	s12 =	smov.u32 s21;
	s22 =	smov.u32 @p4 s3;
	s16 =	smov.u32 s14  }
0x30: {  	s13 =	smov.u32 s22;
	s15 =	sadd.s32 $0x1, s15;
	s14 =	smov.u32 s23  }
.LBB1_1:
0x31: {  	p1 =	sge.u32 s15, s7  }
0x32: {  	s20 =	sshll.u32 @!p1 s12, $0x7;
	s21 =	sshll.u32 @!p1 s11, $0x1  }
0x33: {  	s20 =	sand.u32 @!p1 $0x300, s20;
	s21 =	sand.u32 @!p1 $0xF0, s21  }
0x34: {  	s31 =	sadd.s32 $0xFFFFFFFF, s15;
	s20 =	sor.u32 @!p1 s20, s21;
	s21 =	sshll.u32 @!p1 s14, $0xA  }
0x35: {  	s22 =	sshll.u32 @!p1 s13, $0x9;
	s23 =	sshrl.u32 @!p1 s11, $0x1;
	s21 =	sadd.s32 @!p1 s4, s21  }
0x36: {  	s24 =	sxor.u32 @!p1 $0xFFFFFFFF, s15;
	s23 =	sand.u32 @!p1 $0x1C0, s23;
	s21 =	sadd.s32 @!p1 s22, s21  }
0x37: {  	s20 =	sshrl.u32 @!p1 s20, $0x4;
	s22 =	sand.u32 @!p1 $0x7, s11;
	s21 =	sadd.s32 @!p1 s23, s21  }
0x38: {  	s22 =	sshll.u32 @!p1 s22, $0x12;
	s20 =	sadd.s32 @!p1 s20, s21;
	s21 =	sshll.u32 @!p1 s24, $0xE  }
0x39: {  	s23 =	simm.s32 @!p1 $0x2000;
	s22 =	sor.u32 @!p1 $0x80, s22;
	s21 =	sand.u32 @!p1 $0x4000, s21  }
0x3a: {  	[tilespmem:s21], [sflag:$0x1] =	stream.strided.gather @!p1 [hbm4b:s20+s22], $0x4000, s23, s22, $0x38;
	[tilespmem:$0x10100] =	vst v63  }
0x3b: {  	p1 =	sge.u32 s31, s7  }
.Ltmp2:
0x3c: {  	_ = 	snop;
	(pc) =	sbr.rel @p1 .LBB1_5-.Ltmp2, $1  }
0x3d: {  	_ =	sdelay $0x3  }
0x3e: {  	s20 =	simm.s32 $0x1  }
0x3f: {  	_ =	swait.ge [sflag:s6], $0x4000;
	s20 =	simm.s32 @!p0 $0x0  }
0x40: {  	[sflag:s6] =	ssyncset.done $0x0;
	s21 =	sshll.u32 s20, $0xE  }
0x41: {  	[sflag:s6] =	ssyncadd.s32 $0xFFFFC000;
	s21 =	sor.u32 $0x40, s21  }
0x42: {  	v0 =	vld [tilespmem:s21+$0x20]  }
0x43: {  	v1 =	vld [tilespmem:s21+$0x30]  }
0x44: {  	v2 =	vld [tilespmem:s21+$0xFFFFFFD0]  }
0x45: {  	v3 =	vld [tilespmem:s21+$0xFFFFFFE0]  }
0x46: {  	v4 =	vld [tilespmem:s21+$0xFFFFFFF0]  }
0x47: {  	v5 =	vld [tilespmem:s21+$0x0]  }
0x48: {  	v6 =	vld [tilespmem:s21+$0x10];
	_ =	sdelay $0x1  }
0x49: {  	s20 =	smul.u32 $0x10200, s20;
	v1 =	vperm.xlane.i2c.b16 v1;
	v0 =	vperm.xlane.i2c.b16 v0  }
0x4a: {  	v7 =	vld [tilespmem:s21+$0xFFFFFFC0];
	s21 =	sadd.s32 $0x80, s21;
	v10 =	vperm.xlane.i2c.b16 v2;
	v3 =	vperm.xlane.i2c.b16 v3  }
0x4b: {  	s20 =	sshrl.u32 s20, $0x2;
	v9 =	vld [tilespmem:s21+$0x30];
	v4 =	vperm.xlane.i2c.b16 v4;
	v5 =	vperm.xlane.i2c.b16 v5  }
0x4c: {  	s22 =	sor.u32 $0x8000, s20;
	v2 =	vld [tilespmem:s21+$0x20];
	v6 =	vperm.xlane.i2c.b16 v6;
	v8 =	vcombine.low v0, v1  }
0x4d: {  	s23 =	sadd.s32 $0x0, s22;
	v0 =	vcombine.high v0, v1;
	v1 =	vld [tilespmem:s21+$0xFFFFFFD0];
	v11 =	vcombine.low v3, v4  }
0x4e: {  	v12 =	vld [tilespmem:s21+$0xFFFFFFF0];
	[tilespmem:s23+$0x1830 ss:$0x81] =	vst.msk $0xffff, v8  }
0x4f: {  	v13 =	vperm.xlane.i2c.b16 v7;
	v7 =	vcombine.low v5, v6;
	v8 =	vld [tilespmem:s21+$0xFFFFFFE0];
	[tilespmem:s23+$0x810 ss:$0x81] =	vst.msk $0xffff, v11  }
0x50: {  	v14 =	vld [tilespmem:s21+$0x0];
	v9 =	vperm.xlane.i2c.b16 v9;
	[tilespmem:s23+$0x3870 ss:$0x81] =	vst.msk $0xffff, v0;
	v0 =	vcombine.high v3, v4  }
0x51: {  	s31 =	sand.u32 $0x1, s15;
	v5 =	vcombine.high v5, v6;
	[tilespmem:s23+$0x1020 ss:$0x81] =	vst.msk $0xffff, v7;
	v3 =	vld [tilespmem:s21+$0x10];
	v11 =	vperm.xlane.i2c.b16 v2  }
0x52: {  	s20 =	smul.u32 $0x10200, s31;
	s24 =	sadd.s32 $0x80, s21;
	v4 =	vld [tilespmem:s21+$0xFFFFFFC0];
	[tilespmem:s23+$0x2850 ss:$0x81] =	vst.msk $0xffff, v0;
	v0 =	vperm.xlane.i2c.b16 v1;
	v1 =	vcombine.low v13, v10  }
0x53: {  	v7 =	vperm.xlane.i2c.b16 v12;
	v2 =	vld [tilespmem:s24+$0x20];
	[tilespmem:s23+$0x3060 ss:$0x81] =	vst.msk $0xffff, v5;
	v15 =	vcombine.low v11, v9  }
0x54: {  	s25 =	sadd.s32 $0x1, s22;
	s20 =	sshrl.u32 s20, $0x2;
	v5 =	vld [tilespmem:s24+$0x30];
	v9 =	vcombine.high v11, v9;
	v6 =	vperm.xlane.i2c.b16 v8;
	[tilespmem:s23+$0x0 ss:$0x81] =	vst.msk $0xffff, v1  }
0x55: {  	s26 =	simm.s32 $0x8;
	s27 =	simm.s32 $0xC;
	s21 =	sor.u32 $0x8000, s20;
	v10 =	vcombine.high v13, v10;
	v1 =	vld [tilespmem:s24+$0xFFFFFFD0];
	v8 =	vperm.xlane.i2c.b16 v14;
	[tilespmem:s25+$0x1830 ss:$0x81] =	vst.msk $0xffff, v15  }
.LBB1_3:
0x56: {  	p1 =	sne.s32 s27, $0x1FC;
	v11 =	vld [tilespmem:s24+$0xFFFFFFE0];
	v12 =	vcombine.low v6, v7;
	v3 =	vperm.xlane.i2c.b16 v3;
	[tilespmem:s25+$0x3870 ss:$0x81] =	vst.msk $0xffff, v9  }
0x57: {  	v13 =	vperm.xlane.i2c.b16 v4;
	v4 =	vcombine.high v6, v7;
	v9 =	vld [tilespmem:s24+$0xFFFFFFF0];
	[tilespmem:s23+$0x2040 ss:$0x81] =	vst.msk $0xffff, v10;
	s23 =	smov.u32 s25  }
0x58: {  	v10 =	vld [tilespmem:s24+$0x0];
	[tilespmem:s23+$0x810 ss:$0x81] =	vst.msk $0xffff, v12;
	v6 =	vcombine.low v8, v3;
	v7 =	vcombine.high v8, v3  }
.Ltmp3:
0x59: {  	v8 =	vperm.xlane.i2c.b16 v5;
	v12 =	vperm.xlane.i2c.b16 v2;
	v3 =	vld [tilespmem:s24+$0x10];
	[tilespmem:s23+$0x2850 ss:$0x81] =	vst.msk $0xffff, v4;
	(pc) =	sbr.rel @p1 .LBB1_3-.Ltmp3, $4  }
0x5a: {  	v14 =	vperm.xlane.i2c.b16 v1;
	v1 =	vcombine.low v13, v0;
	v4 =	vld [tilespmem:s24+$0xFFFFFFC0];
	s24 =	sadd.s32 $0x80, s24;
	[tilespmem:s23+$0x1020 ss:$0x81] =	vst.msk $0xffff, v6  }
0x5b: {  	s25 =	sshra.s32 s26, $0x2;
	s26 =	smov.u32 s27;
	v2 =	vld [tilespmem:s24+$0x20];
	v6 =	vperm.xlane.i2c.b16 v11;
	v11 =	vcombine.low v12, v8;
	[tilespmem:s23+$0x3060 ss:$0x81] =	vst.msk $0xffff, v7  }
0x5c: {  	s25 =	sadd.s32 s25, s22;
	v5 =	vld [tilespmem:s24+$0x30];
	v7 =	vperm.xlane.i2c.b16 v9;
	v9 =	vcombine.high v12, v8;
	[tilespmem:s23+$0x0 ss:$0x81] =	vst.msk $0xffff, v1  }
0x5d: {  	s27 =	sadd.s32 $0x4, s27;
	v1 =	vld [tilespmem:s24+$0xFFFFFFD0];
	v8 =	vperm.xlane.i2c.b16 v10;
	[tilespmem:s25+$0x1830 ss:$0x81] =	vst.msk $0xffff, v11;
	v10 =	vcombine.high v13, v0;
	v0 =	vmov v14  }
.Ltmp4:
0x5e: {  	_ = 	snop;
	(pc) =	sbr.rel .LBB1_4-.Ltmp4, $1  }
0x5f: {  	_ =	sdelay $0x3  }
.LBB1_6:
0x60: {  	_ =	sfence.sel $0x180000  }
0x61: {  	s1 =	simm.s32 $0x1;
	[bflag:$0x0] =	sbarrier.arrive $0xFFFF  }
0x62: {  	s31 =	simm.s32 $0x2;
	[sflag:s1] =	ssyncpa.u1 $0x1  }
0x63: {  	[sflag:s31] =	ssyncpa.u1 $0x1  }
0x64: {  	p0 =	sne.s32 s0, $0x0;
	_ =	strace $0x9000004A  }
0x65: {  	s0 =	sadd.s32 @!p0 $0x100000, s2;
	[bflag:$0x2] =	sbarrier.arrive $0xFFFF  }
0x66: {  	[sflag:s0] =	ssyncadd.tile.s32 @!p0 $0x1;
	_ =	shalt  }
.Lfunc_end1:
_tile_overlayer_lowered:
.L_overlay_start_2:
0x67: {  	(tag) =	ssettag $0x2  }
0x68: {  	s0 =	rddreg [dreg:$0x0];
	s2 =	stileid.u32  }
0x69: {  	s1 =	rddreg [dreg:$0x1];
	p0 =	sne.s32 s2, $0x0  }
0x6a: {  	s3 =	rddreg [dreg:$0x2];
	[bflag:$0x3] =	sbarrier.arrive $0xFFFF;
	s2 =	simm.s32 @!p0 $0x1C01  }
0x6b: {  	[timem:s3], [sflag:s2] =	dma.local @!p0 [hbm:s0], s1  }
0x6c: {  	s0 =	simm.s32 @!p0 $0x1  }
0x6d: {  	_ =	swait.ge @!p0 [sflag:s0], s1  }
0x6e: {  	s1 =	ssub.s32 @!p0 $0x0, s1;
	[sflag:s0] =	ssyncset.done @!p0 $0x0  }
0x6f: {  	[sflag:s0] =	ssyncadd.s32 @!p0 s1  }
0x70: {  	[bflag:$0x3] =	sbarrier.arrive $0xFFFF  }
0x71: {  	_ =	shalt  }

</sc_bundles>
